<compile_context>
chip_gen: v7x
topology: tpu7x:2x2x1
jax: 0.10.2.dev20260603
libtpu: 0.0.44.dev20260713+nightly
codegen_flags: <defaults>
</compile_context>

<pallas_src>
import functools

import jax
import jax.numpy as jnp
from jax import lax
from jax.experimental import pallas as pl
from jax.experimental.pallas import tpu as pltpu
from jax.experimental.pallas import tpu_sc as plsc

N = 10000
E = 320000
D_IN = 128
DH = 16
NCLS = 40

NC = 2
NS = 16
NW = NC * NS
EPT = E // NW
CHUNK = 112
NCHUNK = 90
EPAD = NW * NCHUNK * CHUNK - E
NPAD = 10240
RPT = NPAD // NS

_mesh = plsc.VectorSubcoreMesh(core_axis_name="c", subcore_axis_name="s")


@functools.partial(
    pl.kernel,
    out_type=jax.ShapeDtypeStruct((NC, NS, N), jnp.float32),
    mesh=_mesh,
    compiler_params=pltpu.CompilerParams(
        needs_layout_passes=False, use_tc_tiling_on_sc=False),
    scratch_types=[
        pltpu.VMEM((NCHUNK, CHUNK), jnp.int32),
        pltpu.VMEM((N + 16,), jnp.float32),
    ],
)
def _deg_kernel(e_hbm, degp_hbm, dstv, degv):
    c = lax.axis_index("c")
    s = lax.axis_index("s")
    pltpu.sync_copy(e_hbm.at[1, c, s], dstv)

    zeros16 = jnp.zeros((16,), jnp.float32)

    def zbody(i, _):
        degv[pl.ds(i * 16, 16)] = zeros16
        return 0

    lax.fori_loop(0, (N + 16) // 16, zbody, 0)

    ones16 = jnp.ones((16,), jnp.float32)

    def body(j, _):
        for t in range(CHUNK // 16):
            v = dstv[j, pl.ds(t * 16, 16)]
            plsc.addupdate_scatter(degv, [v], ones16)
        return 0

    lax.fori_loop(0, NCHUNK, body, 0)
    pltpu.sync_copy(degv.at[pl.ds(0, N)], degp_hbm.at[c, s])


@functools.partial(
    pl.kernel,
    out_type=jax.ShapeDtypeStruct((NC, NPAD, DH), jnp.float32),
    mesh=_mesh,
    compiler_params=pltpu.CompilerParams(
        needs_layout_passes=False, use_tc_tiling_on_sc=False),
    scratch_types=[
        pltpu.VMEM((NCHUNK, CHUNK), jnp.int32),
        pltpu.VMEM((NCHUNK, CHUNK), jnp.int32),
        pltpu.VMEM((CHUNK, DH), jnp.float32),
        pltpu.VMEM((CHUNK, DH), jnp.float32),
        pltpu.VMEM((CHUNK, DH), jnp.float32),
        pltpu.VMEM((CHUNK, DH), jnp.float32),
        pltpu.VMEM((RPT, DH), jnp.float32),
        pltpu.VMEM_SHARED((NPAD, DH), jnp.float32),
        pltpu.SemaphoreType.DMA,
        pltpu.SemaphoreType.DMA,
        pltpu.SemaphoreType.DMA,
        pltpu.SemaphoreType.DMA,
        pltpu.SemaphoreType.DMA,
        pltpu.SemaphoreType.DMA,
        pltpu.SemaphoreType.DMA,
        pltpu.SemaphoreType.DMA,
    ],
)
def _agg_kernel(g_hbm, e_hbm, accp_hbm, srcv, dstv,
                gb0, gb1, gb2, gb3, obuf, acc,
                sg0, sg1, sg2, sg3, ss0, ss1, ss2, ss3):
    c = lax.axis_index("c")
    s = lax.axis_index("s")
    pltpu.sync_copy(e_hbm.at[0, c, s], srcv)
    pltpu.sync_copy(e_hbm.at[1, c, s], dstv)

    zeros16 = jnp.zeros((16,), jnp.float32)

    def zbody(i, _):
        obuf[i] = zeros16
        return 0

    lax.fori_loop(0, RPT, zbody, 0)
    pltpu.sync_copy(obuf, acc.at[pl.ds(s * RPT, RPT)])
    plsc.subcore_barrier()

    bufs = (gb0, gb1, gb2, gb3)
    gsems = (sg0, sg1, sg2, sg3)
    ssems = (ss0, ss1, ss2, ss3)

    def start_g(j, b):
        pltpu.async_copy(g_hbm.at[srcv.at[j]], bufs[b], gsems[b])

    def wait_g(j, b):
        pltpu.make_async_copy(g_hbm.at[srcv.at[j]], bufs[b], gsems[b]).wait()

    def start_s(j, b):
        pltpu.async_copy(bufs[b], acc.at[dstv.at[j]], ssems[b], add=True)

    def wait_s(j, b):
        pltpu.make_async_copy(bufs[b], acc.at[dstv.at[j]], ssems[b]).wait()

    def finish(j, b):
        wait_g(j, b)
        pltpu.sync_copy(bufs[b], acc.at[dstv.at[j]], add=True)

    start_g(0, 0)

    def body(k, _):
        j0 = 2 * k
        start_g(j0 + 1, 1)
        finish(j0, 0)
        start_g(j0 + 2, 0)
        finish(j0 + 1, 1)
        return 0

    lax.fori_loop(0, (NCHUNK - 2) // 2, body, 0)
    start_g(NCHUNK - 1, 1)
    finish(NCHUNK - 2, 0)
    finish(NCHUNK - 1, 1)
    plsc.subcore_barrier()
    pltpu.sync_copy(acc.at[pl.ds(s * RPT, RPT)], obuf)
    pltpu.sync_copy(obuf, accp_hbm.at[c].at[pl.ds(s * RPT, RPT)])


def _dis_col(degp):
    deg = jnp.sum(jnp.sum(degp, axis=0), axis=0) + 1.0
    return lax.rsqrt(deg).reshape(N, 1)


def _prep1_body(x_ref, w1_ref, degp_ref, g_ref):
    h = jnp.dot(x_ref[...], w1_ref[...], preferred_element_type=jnp.float32)
    g_ref[...] = h * _dis_col(degp_ref[...])


_prep1 = pl.pallas_call(
    _prep1_body,
    out_shape=jax.ShapeDtypeStruct((N, DH), jnp.float32),
)


def _prep2_body(accp_ref, g_ref, degp_ref, b1_ref, g2_ref):
    dis = _dis_col(degp_ref[...])
    agg = (accp_ref[0] + accp_ref[1])[:N] + g_ref[...]
    h1 = jnp.maximum(agg * dis + b1_ref[...], 0.0)
    g2_ref[...] = h1 * dis


_prep2 = pl.pallas_call(
    _prep2_body,
    out_shape=jax.ShapeDtypeStruct((N, DH), jnp.float32),
)


def _final_body(accp_ref, g2_ref, degp_ref, w2_ref, b2_ref, out_ref):
    t = ((accp_ref[0] + accp_ref[1])[:N] + g2_ref[...]) * _dis_col(
        degp_ref[...])
    z = jnp.dot(t, w2_ref[...], preferred_element_type=jnp.float32)
    z = z + b2_ref[...]
    m = jnp.max(z, axis=1, keepdims=True)
    lse = m + jnp.log(jnp.sum(jnp.exp(z - m), axis=1, keepdims=True))
    out_ref[...] = z - lse


_final = pl.pallas_call(
    _final_body,
    out_shape=jax.ShapeDtypeStruct((N, NCLS), jnp.float32),
)


def kernel(x, edge_index, W1, b1, W2, b2):
    pad = jnp.stack([jnp.zeros((EPAD,), jnp.int32),
                     jnp.full((EPAD,), N, jnp.int32)])
    e_pad = jnp.concatenate([edge_index, pad], axis=1).reshape(
        2, NC, NS, NCHUNK, CHUNK)

    degp = _deg_kernel(e_pad)
    g = _prep1(x, W1, degp)
    accp1 = _agg_kernel(g, e_pad)
    g2 = _prep2(accp1, g, degp, b1.reshape(1, DH))
    accp2 = _agg_kernel(g2, e_pad)
    return _final(accp2, g2, degp, W2, b2.reshape(1, NCLS))

# --- scband reference (transcript-rebuilt; emitter-appended) ---
"""Pipeline reference for scband-gcnnet-24498493456719 (READ-ONLY COPY).

The authoritative reference and input builder live on the scoring server;
editing this copy changes nothing except your own understanding.
"""

import jax, jax.numpy as jnp
import numpy as np

N = 10000
E = 320000
D_IN = 128
D_HID = 16
N_CLS = 40


def setup_inputs(seed: int = 0) -> dict:
    key = jax.random.key(seed)
    k1, k2, k3, k4 = jax.random.split(key, 4)
    x = jax.random.normal(k1, (N, D_IN), dtype=jnp.float32)
    edge_index = jax.random.randint(k2, (2, E), 0, N, dtype=jnp.int32)
    W1 = jax.random.normal(k3, (D_IN, D_HID), dtype=jnp.float32) * (1.0 / np.sqrt(D_IN))
    b1 = jnp.zeros((D_HID,), dtype=jnp.float32)
    W2 = jax.random.normal(k4, (D_HID, N_CLS), dtype=jnp.float32) * (1.0 / np.sqrt(D_HID))
    b2 = jnp.zeros((N_CLS,), dtype=jnp.float32)
    return {"x": x, "edge_index": edge_index, "W1": W1, "b1": b1, "W2": W2, "b2": b2}


def _gcn_conv(x, src, dst, W, b, n):
    # GCNConv: h = D^{-1/2} (A + I) D^{-1/2} X W + b  (self-loops already in src/dst)
    h = x @ W
    deg = jnp.zeros((n,), dtype=x.dtype).at[dst].add(1.0)
    deg_inv_sqrt = jnp.where(deg > 0, 1.0 / jnp.sqrt(deg), 0.0)
    norm = deg_inv_sqrt[src] * deg_inv_sqrt[dst]
    msg = h[src] * norm[:, None]
    out = jnp.zeros((n, h.shape[1]), dtype=x.dtype).at[dst].add(msg)
    return out + b


def reference(x, edge_index, W1, b1, W2, b2):
    n = x.shape[0]
    loops = jnp.arange(n, dtype=edge_index.dtype)
    src = jnp.concatenate([edge_index[0], loops])
    dst = jnp.concatenate([edge_index[1], loops])
    h = _gcn_conv(x, src, dst, W1, b1, n)
    h = jax.nn.relu(h)
    # F.dropout(training=self.training) -> identity in eval mode
    h = _gcn_conv(h, src, dst, W2, b2, n)
    return jax.nn.log_softmax(h, axis=1)

if __name__ == "__main__":
    import jax
    _d = setup_inputs()
    print(jax.jit(kernel)(*tuple(_d.values())))

</pallas_src>

<mosaic_0001>
#map = affine_map<(d0, d1) -> (0, 0)>
#map1 = affine_map<(d0, d1) -> (0, 0, 0, 0, 0)>
#map2 = affine_map<(d0, d1) -> (0, 0, 0)>
module attributes {stable_mosaic.version = 14 : i64} {
  func.func @_agg_kernel(%arg0: i32, %arg1: i32, %arg2: memref<10000x16xf32, #tpu.memory_space<hbm>>, %arg3: memref<2x2x16x90x112xi32, #tpu.memory_space<hbm>>, %arg4: memref<2x10240x16xf32, #tpu.memory_space<hbm>>, %arg5: memref<90x112xi32, #tpu.memory_space<vmem>>, %arg6: memref<90x112xi32, #tpu.memory_space<vmem>>, %arg7: memref<112x16xf32, #tpu.memory_space<vmem>>, %arg8: memref<112x16xf32, #tpu.memory_space<vmem>>, %arg9: memref<112x16xf32, #tpu.memory_space<vmem>>, %arg10: memref<112x16xf32, #tpu.memory_space<vmem>>, %arg11: memref<640x16xf32, #tpu.memory_space<vmem>>, %arg12: memref<10240x16xf32, #tpu.memory_space<vmem_shared>>, %arg13: memref<!tpu.dma_semaphore, #tpu.memory_space<semaphore_mem>>, %arg14: memref<!tpu.dma_semaphore, #tpu.memory_space<semaphore_mem>>, %arg15: memref<!tpu.dma_semaphore, #tpu.memory_space<semaphore_mem>>, %arg16: memref<!tpu.dma_semaphore, #tpu.memory_space<semaphore_mem>>, %arg17: memref<!tpu.dma_semaphore, #tpu.memory_space<semaphore_mem>>, %arg18: memref<!tpu.dma_semaphore, #tpu.memory_space<semaphore_mem>>, %arg19: memref<!tpu.dma_semaphore, #tpu.memory_space<semaphore_mem>>, %arg20: memref<!tpu.dma_semaphore, #tpu.memory_space<semaphore_mem>>) attributes {dimension_semantics = [#tpu.dimension_semantics<core_parallel>, #tpu.dimension_semantics<subcore_parallel>], iteration_bounds = array<i64: 2, 16>, scalar_prefetch = 0 : i64, scratch_operands = 16 : i64, tpu.core_type = #tpu.core_type<sc_vector_subcore>, window_params = [{transform_indices = #map}, {transform_indices = #map1}, {transform_indices = #map2}]} {
    %run_scoped3A = arith.constant 0 : i32
    "tpu.region"() ({
      %run_scoped3A_49 = tpu.sem_alloc : memref<!tpu.dma_semaphore, #tpu.memory_space<semaphore_mem>>
      %dma_start3A_50 = arith.constant 0 : i32
      %dma_start3A_51 = arith.constant 0 : i32
      %dma_start3A_52 = tpu.memref_slice %arg3[%run_scoped3A, %arg0, %arg1, %dma_start3A_50, %dma_start3A_51] : memref<2x2x16x90x112xi32, #tpu.memory_space<hbm>> -> memref<1x1x1x90x112xi32, #tpu.memory_space<hbm>>
      %dma_start3A_53 = tpu.memref_squeeze %dma_start3A_52 : memref<1x1x1x90x112xi32, #tpu.memory_space<hbm>> -> memref<90x112xi32, #tpu.memory_space<hbm>>
      %dma_start3A_54 = arith.constant 0 : i32
      %dma_start3A_55 = arith.constant 0 : i32
      %dma_start3A_56 = tpu.memref_slice %arg3[%run_scoped3A, %arg0, %arg1, %dma_start3A_54, %dma_start3A_55] : memref<2x2x16x90x112xi32, #tpu.memory_space<hbm>> -> memref<1x1x1x90x112xi32, #tpu.memory_space<hbm>>
      %dma_start3A_57 = tpu.memref_squeeze %dma_start3A_56 : memref<1x1x1x90x112xi32, #tpu.memory_space<hbm>> -> memref<90x112xi32, #tpu.memory_space<hbm>>
      tpu.enqueue_dma source(%dma_start3A_57 : memref<90x112xi32, #tpu.memory_space<hbm>>) target(%arg5 : memref<90x112xi32, #tpu.memory_space<vmem>>) target_semaphore(%run_scoped3A_49 : memref<!tpu.dma_semaphore, #tpu.memory_space<semaphore_mem>>)
      %dma_wait3A_58 = arith.constant 0 : i32
      %dma_wait3A_59 = arith.constant 0 : i32
      %dma_wait3A_60 = tpu.memref_slice %arg3[%run_scoped3A, %arg0, %arg1, %dma_wait3A_58, %dma_wait3A_59] : memref<2x2x16x90x112xi32, #tpu.memory_space<hbm>> -> memref<1x1x1x90x112xi32, #tpu.memory_space<hbm>>
      %dma_wait3A_61 = tpu.memref_squeeze %dma_wait3A_60 : memref<1x1x1x90x112xi32, #tpu.memory_space<hbm>> -> memref<90x112xi32, #tpu.memory_space<hbm>>
      %dma_wait3A_62 = arith.constant 0 : i32
      %dma_wait3A_63 = arith.constant 0 : i32
      %dma_wait3A_64 = tpu.memref_slice %arg3[%run_scoped3A, %arg0, %arg1, %dma_wait3A_62, %dma_wait3A_63] : memref<2x2x16x90x112xi32, #tpu.memory_space<hbm>> -> memref<1x1x1x90x112xi32, #tpu.memory_space<hbm>>
      %dma_wait3A_65 = tpu.memref_squeeze %dma_wait3A_64 : memref<1x1x1x90x112xi32, #tpu.memory_space<hbm>> -> memref<90x112xi32, #tpu.memory_space<hbm>>
      tpu.wait_dma2 semaphore(%run_scoped3A_49 : memref<!tpu.dma_semaphore, #tpu.memory_space<semaphore_mem>>) src(%dma_wait3A_65 : memref<90x112xi32, #tpu.memory_space<hbm>>) dst(%arg5 : memref<90x112xi32, #tpu.memory_space<vmem>>)
      tpu.yield
    }) : () -> ()
    %run_scoped3A_0 = arith.constant 1 : i32
    "tpu.region"() ({
      %run_scoped3A_49 = tpu.sem_alloc : memref<!tpu.dma_semaphore, #tpu.memory_space<semaphore_mem>>
      %dma_start3A_50 = arith.constant 0 : i32
      %dma_start3A_51 = arith.constant 0 : i32
      %dma_start3A_52 = tpu.memref_slice %arg3[%run_scoped3A_0, %arg0, %arg1, %dma_start3A_50, %dma_start3A_51] : memref<2x2x16x90x112xi32, #tpu.memory_space<hbm>> -> memref<1x1x1x90x112xi32, #tpu.memory_space<hbm>>
      %dma_start3A_53 = tpu.memref_squeeze %dma_start3A_52 : memref<1x1x1x90x112xi32, #tpu.memory_space<hbm>> -> memref<90x112xi32, #tpu.memory_space<hbm>>
      %dma_start3A_54 = arith.constant 0 : i32
      %dma_start3A_55 = arith.constant 0 : i32
      %dma_start3A_56 = tpu.memref_slice %arg3[%run_scoped3A_0, %arg0, %arg1, %dma_start3A_54, %dma_start3A_55] : memref<2x2x16x90x112xi32, #tpu.memory_space<hbm>> -> memref<1x1x1x90x112xi32, #tpu.memory_space<hbm>>
      %dma_start3A_57 = tpu.memref_squeeze %dma_start3A_56 : memref<1x1x1x90x112xi32, #tpu.memory_space<hbm>> -> memref<90x112xi32, #tpu.memory_space<hbm>>
      tpu.enqueue_dma source(%dma_start3A_57 : memref<90x112xi32, #tpu.memory_space<hbm>>) target(%arg6 : memref<90x112xi32, #tpu.memory_space<vmem>>) target_semaphore(%run_scoped3A_49 : memref<!tpu.dma_semaphore, #tpu.memory_space<semaphore_mem>>)
      %dma_wait3A_58 = arith.constant 0 : i32
      %dma_wait3A_59 = arith.constant 0 : i32
      %dma_wait3A_60 = tpu.memref_slice %arg3[%run_scoped3A_0, %arg0, %arg1, %dma_wait3A_58, %dma_wait3A_59] : memref<2x2x16x90x112xi32, #tpu.memory_space<hbm>> -> memref<1x1x1x90x112xi32, #tpu.memory_space<hbm>>
      %dma_wait3A_61 = tpu.memref_squeeze %dma_wait3A_60 : memref<1x1x1x90x112xi32, #tpu.memory_space<hbm>> -> memref<90x112xi32, #tpu.memory_space<hbm>>
      %dma_wait3A_62 = arith.constant 0 : i32
      %dma_wait3A_63 = arith.constant 0 : i32
      %dma_wait3A_64 = tpu.memref_slice %arg3[%run_scoped3A_0, %arg0, %arg1, %dma_wait3A_62, %dma_wait3A_63] : memref<2x2x16x90x112xi32, #tpu.memory_space<hbm>> -> memref<1x1x1x90x112xi32, #tpu.memory_space<hbm>>
      %dma_wait3A_65 = tpu.memref_squeeze %dma_wait3A_64 : memref<1x1x1x90x112xi32, #tpu.memory_space<hbm>> -> memref<90x112xi32, #tpu.memory_space<hbm>>
      tpu.wait_dma2 semaphore(%run_scoped3A_49 : memref<!tpu.dma_semaphore, #tpu.memory_space<semaphore_mem>>) src(%dma_wait3A_65 : memref<90x112xi32, #tpu.memory_space<hbm>>) dst(%arg6 : memref<90x112xi32, #tpu.memory_space<vmem>>)
      tpu.yield
    }) : () -> ()
    %broadcast_in_dim3A = arith.constant 0.000000e+00 : f32
    %broadcast_in_dim3A_1 = vector.broadcast %broadcast_in_dim3A : f32 to vector<16xf32>
    %scan3A = arith.constant 0 : i32
    %scan3A_2 = arith.constant 0 : i32
    %scan3A_3 = arith.constant 640 : i32
    %scan3A_4 = arith.addi %scan3A_2, %scan3A_3 : i32
    %scan3A_5 = arith.constant 1 : i32
    %scan3A_6 = scf.for %scan3A_49 = %scan3A_2 to %scan3A_4 step %scan3A_5 iter_args(%scan3A_50 = %scan3A) -> (i32)  : i32 {
      %swap3A = arith.index_cast %scan3A_49 : i32 to index
      %swap3A_51 = arith.constant 0 : index
      %swap3A_52 = tpu.vector_load %arg11[%swap3A, %swap3A_51] {strides = array<i32>} : memref<640x16xf32, #tpu.memory_space<vmem>>, vector<16xf32>,
      tpu.vector_store %arg11[%swap3A, %swap3A_51], %broadcast_in_dim3A_1 {strides = array<i32>} : memref<640x16xf32, #tpu.memory_space<vmem>>, vector<16xf32>,
      %scan3A_53 = arith.constant 0 : i32
      scf.yield %scan3A_53 : i32
    }
    %scan3A_7 = arith.constant 640 : i32
    %mul3A = arith.constant 640 : i32
    %mul3A_8 = arith.muli %arg1, %mul3A : i32
    "tpu.region"() ({
      %run_scoped3A_49 = tpu.sem_alloc : memref<!tpu.dma_semaphore, #tpu.memory_space<semaphore_mem>>
      %dma_start3A_50 = arith.constant 0 : i32
      %dma_start3A_51 = tpu.memref_slice %arg12[%mul3A_8, %dma_start3A_50] : memref<10240x16xf32, #tpu.memory_space<vmem_shared>> -> memref<640x16xf32, #tpu.memory_space<vmem_shared>>
      %dma_start3A_52 = arith.constant 0 : i32
      %dma_start3A_53 = tpu.memref_slice %arg12[%mul3A_8, %dma_start3A_52] : memref<10240x16xf32, #tpu.memory_space<vmem_shared>> -> memref<640x16xf32, #tpu.memory_space<vmem_shared>>
      tpu.enqueue_dma source(%arg11 : memref<640x16xf32, #tpu.memory_space<vmem>>) target(%dma_start3A_53 : memref<640x16xf32, #tpu.memory_space<vmem_shared>>) target_semaphore(%run_scoped3A_49 : memref<!tpu.dma_semaphore, #tpu.memory_space<semaphore_mem>>)
      %dma_wait3A_54 = arith.constant 0 : i32
      %dma_wait3A_55 = tpu.memref_slice %arg12[%mul3A_8, %dma_wait3A_54] : memref<10240x16xf32, #tpu.memory_space<vmem_shared>> -> memref<640x16xf32, #tpu.memory_space<vmem_shared>>
      %dma_wait3A_56 = arith.constant 0 : i32
      %dma_wait3A_57 = tpu.memref_slice %arg12[%mul3A_8, %dma_wait3A_56] : memref<10240x16xf32, #tpu.memory_space<vmem_shared>> -> memref<640x16xf32, #tpu.memory_space<vmem_shared>>
      tpu.wait_dma2 semaphore(%run_scoped3A_49 : memref<!tpu.dma_semaphore, #tpu.memory_space<semaphore_mem>>) src(%arg11 : memref<640x16xf32, #tpu.memory_space<vmem>>) dst(%dma_wait3A_57 : memref<640x16xf32, #tpu.memory_space<vmem_shared>>)
      tpu.yield
    }) : () -> ()
    %barrier3A = arith.constant 0 : index
    tpu.barrier barrier_id(%barrier3A)
    %dma_start3A = arith.constant 0 : i32
    %dma_start3A_9 = arith.constant 0 : i32
    %dma_start3A_10 = tpu.memref_slice %arg5[%dma_start3A, %dma_start3A_9] : memref<90x112xi32, #tpu.memory_space<vmem>> -> memref<1x112xi32, #tpu.memory_space<vmem>>
    %dma_start3A_11 = tpu.memref_squeeze %dma_start3A_10 : memref<1x112xi32, #tpu.memory_space<vmem>> -> memref<112xi32, #tpu.memory_space<vmem>>
    %dma_start3A_12 = arith.constant 0 : i32
    %dma_start3A_13 = arith.constant 0 : i32
    %dma_start3A_14 = tpu.memref_slice %arg2[%dma_start3A_12, %dma_start3A_13] : memref<10000x16xf32, #tpu.memory_space<hbm>> -> memref<10000x16xf32, #tpu.memory_space<hbm>>
    tpu.enqueue_indirect_dma source(%dma_start3A_14 : memref<10000x16xf32, #tpu.memory_space<hbm>>) target(%arg7 : memref<112x16xf32, #tpu.memory_space<vmem>>) offsets(%dma_start3A_11 : memref<112xi32, #tpu.memory_space<vmem>>) semaphore(%arg13 : memref<!tpu.dma_semaphore, #tpu.memory_space<semaphore_mem>>)
    %scan3A_15 = arith.constant 0 : i32
    %scan3A_16 = arith.constant 0 : i32
    %scan3A_17 = arith.constant 44 : i32
    %scan3A_18 = arith.addi %scan3A_16, %scan3A_17 : i32
    %scan3A_19 = arith.constant 1 : i32
    %scan3A_20 = scf.for %scan3A_49 = %scan3A_16 to %scan3A_18 step %scan3A_19 iter_args(%scan3A_50 = %scan3A_15) -> (i32)  : i32 {
      %mul3A_51 = arith.constant 2 : i32
      %mul3A_52 = arith.muli %mul3A_51, %scan3A_49 : i32
      %add3A = arith.constant 1 : i32
      %add3A_53 = arith.addi %mul3A_52, %add3A : i32
      %dma_start3A_54 = arith.constant 0 : i32
      %dma_start3A_55 = tpu.memref_slice %arg5[%add3A_53, %dma_start3A_54] : memref<90x112xi32, #tpu.memory_space<vmem>> -> memref<1x112xi32, #tpu.memory_space<vmem>>
      %dma_start3A_56 = tpu.memref_squeeze %dma_start3A_55 : memref<1x112xi32, #tpu.memory_space<vmem>> -> memref<112xi32, #tpu.memory_space<vmem>>
      %dma_start3A_57 = arith.constant 0 : i32
      %dma_start3A_58 = arith.constant 0 : i32
      %dma_start3A_59 = tpu.memref_slice %arg2[%dma_start3A_57, %dma_start3A_58] : memref<10000x16xf32, #tpu.memory_space<hbm>> -> memref<10000x16xf32, #tpu.memory_space<hbm>>
      tpu.enqueue_indirect_dma source(%dma_start3A_59 : memref<10000x16xf32, #tpu.memory_space<hbm>>) target(%arg8 : memref<112x16xf32, #tpu.memory_space<vmem>>) offsets(%dma_start3A_56 : memref<112xi32, #tpu.memory_space<vmem>>) semaphore(%arg14 : memref<!tpu.dma_semaphore, #tpu.memory_space<semaphore_mem>>)
      %dma_wait3A_60 = arith.constant 0 : i32
      %dma_wait3A_61 = tpu.memref_slice %arg5[%mul3A_52, %dma_wait3A_60] : memref<90x112xi32, #tpu.memory_space<vmem>> -> memref<1x112xi32, #tpu.memory_space<vmem>>
      %dma_wait3A_62 = tpu.memref_squeeze %dma_wait3A_61 : memref<1x112xi32, #tpu.memory_space<vmem>> -> memref<112xi32, #tpu.memory_space<vmem>>
      %dma_wait3A_63 = arith.constant 0 : i32
      %dma_wait3A_64 = arith.constant 0 : i32
      %dma_wait3A_65 = tpu.memref_slice %arg2[%dma_wait3A_63, %dma_wait3A_64] : memref<10000x16xf32, #tpu.memory_space<hbm>> -> memref<10000x16xf32, #tpu.memory_space<hbm>>
      tpu.wait_indirect_dma semaphore(%arg13 : memref<!tpu.dma_semaphore, #tpu.memory_space<semaphore_mem>>) src(%dma_wait3A_65 : memref<10000x16xf32, #tpu.memory_space<hbm>>) dst(%arg7 : memref<112x16xf32, #tpu.memory_space<vmem>>)
      "tpu.region"() ({
        %run_scoped3A_83 = tpu.sem_alloc : memref<!tpu.dma_semaphore, #tpu.memory_space<semaphore_mem>>
        %dma_start3A_84 = arith.constant 0 : i32
        %dma_start3A_85 = tpu.memref_slice %arg6[%mul3A_52, %dma_start3A_84] : memref<90x112xi32, #tpu.memory_space<vmem>> -> memref<1x112xi32, #tpu.memory_space<vmem>>
        %dma_start3A_86 = tpu.memref_squeeze %dma_start3A_85 : memref<1x112xi32, #tpu.memory_space<vmem>> -> memref<112xi32, #tpu.memory_space<vmem>>
        %dma_start3A_87 = arith.constant 0 : i32
        %dma_start3A_88 = arith.constant 0 : i32
        %dma_start3A_89 = tpu.memref_slice %arg12[%dma_start3A_87, %dma_start3A_88] : memref<10240x16xf32, #tpu.memory_space<vmem_shared>> -> memref<10240x16xf32, #tpu.memory_space<vmem_shared>>
        tpu.enqueue_indirect_dma source(%arg7 : memref<112x16xf32, #tpu.memory_space<vmem>>) target(%dma_start3A_89 : memref<10240x16xf32, #tpu.memory_space<vmem_shared>>) offsets(%dma_start3A_86 : memref<112xi32, #tpu.memory_space<vmem>>) semaphore(%run_scoped3A_83 : memref<!tpu.dma_semaphore, #tpu.memory_space<semaphore_mem>>) {add = true}
        %dma_wait3A_90 = arith.constant 0 : i32
        %dma_wait3A_91 = tpu.memref_slice %arg6[%mul3A_52, %dma_wait3A_90] : memref<90x112xi32, #tpu.memory_space<vmem>> -> memref<1x112xi32, #tpu.memory_space<vmem>>
        %dma_wait3A_92 = tpu.memref_squeeze %dma_wait3A_91 : memref<1x112xi32, #tpu.memory_space<vmem>> -> memref<112xi32, #tpu.memory_space<vmem>>
        %dma_wait3A_93 = arith.constant 0 : i32
        %dma_wait3A_94 = arith.constant 0 : i32
        %dma_wait3A_95 = tpu.memref_slice %arg12[%dma_wait3A_93, %dma_wait3A_94] : memref<10240x16xf32, #tpu.memory_space<vmem_shared>> -> memref<10240x16xf32, #tpu.memory_space<vmem_shared>>
        tpu.wait_indirect_dma semaphore(%run_scoped3A_83 : memref<!tpu.dma_semaphore, #tpu.memory_space<semaphore_mem>>) src(%arg7 : memref<112x16xf32, #tpu.memory_space<vmem>>) dst(%dma_wait3A_95 : memref<10240x16xf32, #tpu.memory_space<vmem_shared>>)
        tpu.yield
      }) : () -> ()
      %add3A_66 = arith.constant 2 : i32
      %add3A_67 = arith.addi %mul3A_52, %add3A_66 : i32
      %dma_start3A_68 = arith.constant 0 : i32
      %dma_start3A_69 = tpu.memref_slice %arg5[%add3A_67, %dma_start3A_68] : memref<90x112xi32, #tpu.memory_space<vmem>> -> memref<1x112xi32, #tpu.memory_space<vmem>>
      %dma_start3A_70 = tpu.memref_squeeze %dma_start3A_69 : memref<1x112xi32, #tpu.memory_space<vmem>> -> memref<112xi32, #tpu.memory_space<vmem>>
      %dma_start3A_71 = arith.constant 0 : i32
      %dma_start3A_72 = arith.constant 0 : i32
      %dma_start3A_73 = tpu.memref_slice %arg2[%dma_start3A_71, %dma_start3A_72] : memref<10000x16xf32, #tpu.memory_space<hbm>> -> memref<10000x16xf32, #tpu.memory_space<hbm>>
      tpu.enqueue_indirect_dma source(%dma_start3A_73 : memref<10000x16xf32, #tpu.memory_space<hbm>>) target(%arg7 : memref<112x16xf32, #tpu.memory_space<vmem>>) offsets(%dma_start3A_70 : memref<112xi32, #tpu.memory_space<vmem>>) semaphore(%arg13 : memref<!tpu.dma_semaphore, #tpu.memory_space<semaphore_mem>>)
      %add3A_74 = arith.constant 1 : i32
      %add3A_75 = arith.addi %mul3A_52, %add3A_74 : i32
      %dma_wait3A_76 = arith.constant 0 : i32
      %dma_wait3A_77 = tpu.memref_slice %arg5[%add3A_75, %dma_wait3A_76] : memref<90x112xi32, #tpu.memory_space<vmem>> -> memref<1x112xi32, #tpu.memory_space<vmem>>
      %dma_wait3A_78 = tpu.memref_squeeze %dma_wait3A_77 : memref<1x112xi32, #tpu.memory_space<vmem>> -> memref<112xi32, #tpu.memory_space<vmem>>
      %dma_wait3A_79 = arith.constant 0 : i32
      %dma_wait3A_80 = arith.constant 0 : i32
      %dma_wait3A_81 = tpu.memref_slice %arg2[%dma_wait3A_79, %dma_wait3A_80] : memref<10000x16xf32, #tpu.memory_space<hbm>> -> memref<10000x16xf32, #tpu.memory_space<hbm>>
      tpu.wait_indirect_dma semaphore(%arg14 : memref<!tpu.dma_semaphore, #tpu.memory_space<semaphore_mem>>) src(%dma_wait3A_81 : memref<10000x16xf32, #tpu.memory_space<hbm>>) dst(%arg8 : memref<112x16xf32, #tpu.memory_space<vmem>>)
      "tpu.region"() ({
        %run_scoped3A_83 = tpu.sem_alloc : memref<!tpu.dma_semaphore, #tpu.memory_space<semaphore_mem>>
        %dma_start3A_84 = arith.constant 0 : i32
        %dma_start3A_85 = tpu.memref_slice %arg6[%add3A_75, %dma_start3A_84] : memref<90x112xi32, #tpu.memory_space<vmem>> -> memref<1x112xi32, #tpu.memory_space<vmem>>
        %dma_start3A_86 = tpu.memref_squeeze %dma_start3A_85 : memref<1x112xi32, #tpu.memory_space<vmem>> -> memref<112xi32, #tpu.memory_space<vmem>>
        %dma_start3A_87 = arith.constant 0 : i32
        %dma_start3A_88 = arith.constant 0 : i32
        %dma_start3A_89 = tpu.memref_slice %arg12[%dma_start3A_87, %dma_start3A_88] : memref<10240x16xf32, #tpu.memory_space<vmem_shared>> -> memref<10240x16xf32, #tpu.memory_space<vmem_shared>>
        tpu.enqueue_indirect_dma source(%arg8 : memref<112x16xf32, #tpu.memory_space<vmem>>) target(%dma_start3A_89 : memref<10240x16xf32, #tpu.memory_space<vmem_shared>>) offsets(%dma_start3A_86 : memref<112xi32, #tpu.memory_space<vmem>>) semaphore(%run_scoped3A_83 : memref<!tpu.dma_semaphore, #tpu.memory_space<semaphore_mem>>) {add = true}
        %dma_wait3A_90 = arith.constant 0 : i32
        %dma_wait3A_91 = tpu.memref_slice %arg6[%add3A_75, %dma_wait3A_90] : memref<90x112xi32, #tpu.memory_space<vmem>> -> memref<1x112xi32, #tpu.memory_space<vmem>>
        %dma_wait3A_92 = tpu.memref_squeeze %dma_wait3A_91 : memref<1x112xi32, #tpu.memory_space<vmem>> -> memref<112xi32, #tpu.memory_space<vmem>>
        %dma_wait3A_93 = arith.constant 0 : i32
        %dma_wait3A_94 = arith.constant 0 : i32
        %dma_wait3A_95 = tpu.memref_slice %arg12[%dma_wait3A_93, %dma_wait3A_94] : memref<10240x16xf32, #tpu.memory_space<vmem_shared>> -> memref<10240x16xf32, #tpu.memory_space<vmem_shared>>
        tpu.wait_indirect_dma semaphore(%run_scoped3A_83 : memref<!tpu.dma_semaphore, #tpu.memory_space<semaphore_mem>>) src(%arg8 : memref<112x16xf32, #tpu.memory_space<vmem>>) dst(%dma_wait3A_95 : memref<10240x16xf32, #tpu.memory_space<vmem_shared>>)
        tpu.yield
      }) : () -> ()
      %scan3A_82 = arith.constant 0 : i32
      scf.yield %scan3A_82 : i32
    }
    %scan3A_21 = arith.constant 44 : i32
    %dma_start3A_22 = arith.constant 89 : i32
    %dma_start3A_23 = arith.constant 0 : i32
    %dma_start3A_24 = tpu.memref_slice %arg5[%dma_start3A_22, %dma_start3A_23] : memref<90x112xi32, #tpu.memory_space<vmem>> -> memref<1x112xi32, #tpu.memory_space<vmem>>
    %dma_start3A_25 = tpu.memref_squeeze %dma_start3A_24 : memref<1x112xi32, #tpu.memory_space<vmem>> -> memref<112xi32, #tpu.memory_space<vmem>>
    %dma_start3A_26 = arith.constant 0 : i32
    %dma_start3A_27 = arith.constant 0 : i32
    %dma_start3A_28 = tpu.memref_slice %arg2[%dma_start3A_26, %dma_start3A_27] : memref<10000x16xf32, #tpu.memory_space<hbm>> -> memref<10000x16xf32, #tpu.memory_space<hbm>>
    tpu.enqueue_indirect_dma source(%dma_start3A_28 : memref<10000x16xf32, #tpu.memory_space<hbm>>) target(%arg8 : memref<112x16xf32, #tpu.memory_space<vmem>>) offsets(%dma_start3A_25 : memref<112xi32, #tpu.memory_space<vmem>>) semaphore(%arg14 : memref<!tpu.dma_semaphore, #tpu.memory_space<semaphore_mem>>)
    %dma_wait3A = arith.constant 88 : i32
    %dma_wait3A_29 = arith.constant 0 : i32
    %dma_wait3A_30 = tpu.memref_slice %arg5[%dma_wait3A, %dma_wait3A_29] : memref<90x112xi32, #tpu.memory_space<vmem>> -> memref<1x112xi32, #tpu.memory_space<vmem>>
    %dma_wait3A_31 = tpu.memref_squeeze %dma_wait3A_30 : memref<1x112xi32, #tpu.memory_space<vmem>> -> memref<112xi32, #tpu.memory_space<vmem>>
    %dma_wait3A_32 = arith.constant 0 : i32
    %dma_wait3A_33 = arith.constant 0 : i32
    %dma_wait3A_34 = tpu.memref_slice %arg2[%dma_wait3A_32, %dma_wait3A_33] : memref<10000x16xf32, #tpu.memory_space<hbm>> -> memref<10000x16xf32, #tpu.memory_space<hbm>>
    tpu.wait_indirect_dma semaphore(%arg13 : memref<!tpu.dma_semaphore, #tpu.memory_space<semaphore_mem>>) src(%dma_wait3A_34 : memref<10000x16xf32, #tpu.memory_space<hbm>>) dst(%arg7 : memref<112x16xf32, #tpu.memory_space<vmem>>)
    %run_scoped3A_35 = arith.constant 88 : i32
    "tpu.region"() ({
      %run_scoped3A_49 = tpu.sem_alloc : memref<!tpu.dma_semaphore, #tpu.memory_space<semaphore_mem>>
      %dma_start3A_50 = arith.constant 0 : i32
      %dma_start3A_51 = tpu.memref_slice %arg6[%run_scoped3A_35, %dma_start3A_50] : memref<90x112xi32, #tpu.memory_space<vmem>> -> memref<1x112xi32, #tpu.memory_space<vmem>>
      %dma_start3A_52 = tpu.memref_squeeze %dma_start3A_51 : memref<1x112xi32, #tpu.memory_space<vmem>> -> memref<112xi32, #tpu.memory_space<vmem>>
      %dma_start3A_53 = arith.constant 0 : i32
      %dma_start3A_54 = arith.constant 0 : i32
      %dma_start3A_55 = tpu.memref_slice %arg12[%dma_start3A_53, %dma_start3A_54] : memref<10240x16xf32, #tpu.memory_space<vmem_shared>> -> memref<10240x16xf32, #tpu.memory_space<vmem_shared>>
      tpu.enqueue_indirect_dma source(%arg7 : memref<112x16xf32, #tpu.memory_space<vmem>>) target(%dma_start3A_55 : memref<10240x16xf32, #tpu.memory_space<vmem_shared>>) offsets(%dma_start3A_52 : memref<112xi32, #tpu.memory_space<vmem>>) semaphore(%run_scoped3A_49 : memref<!tpu.dma_semaphore, #tpu.memory_space<semaphore_mem>>) {add = true}
      %dma_wait3A_56 = arith.constant 0 : i32
      %dma_wait3A_57 = tpu.memref_slice %arg6[%run_scoped3A_35, %dma_wait3A_56] : memref<90x112xi32, #tpu.memory_space<vmem>> -> memref<1x112xi32, #tpu.memory_space<vmem>>
      %dma_wait3A_58 = tpu.memref_squeeze %dma_wait3A_57 : memref<1x112xi32, #tpu.memory_space<vmem>> -> memref<112xi32, #tpu.memory_space<vmem>>
      %dma_wait3A_59 = arith.constant 0 : i32
      %dma_wait3A_60 = arith.constant 0 : i32
      %dma_wait3A_61 = tpu.memref_slice %arg12[%dma_wait3A_59, %dma_wait3A_60] : memref<10240x16xf32, #tpu.memory_space<vmem_shared>> -> memref<10240x16xf32, #tpu.memory_space<vmem_shared>>
      tpu.wait_indirect_dma semaphore(%run_scoped3A_49 : memref<!tpu.dma_semaphore, #tpu.memory_space<semaphore_mem>>) src(%arg7 : memref<112x16xf32, #tpu.memory_space<vmem>>) dst(%dma_wait3A_61 : memref<10240x16xf32, #tpu.memory_space<vmem_shared>>)
      tpu.yield
    }) : () -> ()
    %dma_wait3A_36 = arith.constant 89 : i32
    %dma_wait3A_37 = arith.constant 0 : i32
    %dma_wait3A_38 = tpu.memref_slice %arg5[%dma_wait3A_36, %dma_wait3A_37] : memref<90x112xi32, #tpu.memory_space<vmem>> -> memref<1x112xi32, #tpu.memory_space<vmem>>
    %dma_wait3A_39 = tpu.memref_squeeze %dma_wait3A_38 : memref<1x112xi32, #tpu.memory_space<vmem>> -> memref<112xi32, #tpu.memory_space<vmem>>
    %dma_wait3A_40 = arith.constant 0 : i32
    %dma_wait3A_41 = arith.constant 0 : i32
    %dma_wait3A_42 = tpu.memref_slice %arg2[%dma_wait3A_40, %dma_wait3A_41] : memref<10000x16xf32, #tpu.memory_space<hbm>> -> memref<10000x16xf32, #tpu.memory_space<hbm>>
    tpu.wait_indirect_dma semaphore(%arg14 : memref<!tpu.dma_semaphore, #tpu.memory_space<semaphore_mem>>) src(%dma_wait3A_42 : memref<10000x16xf32, #tpu.memory_space<hbm>>) dst(%arg8 : memref<112x16xf32, #tpu.memory_space<vmem>>)
    %run_scoped3A_43 = arith.constant 89 : i32
    "tpu.region"() ({
      %run_scoped3A_49 = tpu.sem_alloc : memref<!tpu.dma_semaphore, #tpu.memory_space<semaphore_mem>>
      %dma_start3A_50 = arith.constant 0 : i32
      %dma_start3A_51 = tpu.memref_slice %arg6[%run_scoped3A_43, %dma_start3A_50] : memref<90x112xi32, #tpu.memory_space<vmem>> -> memref<1x112xi32, #tpu.memory_space<vmem>>
      %dma_start3A_52 = tpu.memref_squeeze %dma_start3A_51 : memref<1x112xi32, #tpu.memory_space<vmem>> -> memref<112xi32, #tpu.memory_space<vmem>>
      %dma_start3A_53 = arith.constant 0 : i32
      %dma_start3A_54 = arith.constant 0 : i32
      %dma_start3A_55 = tpu.memref_slice %arg12[%dma_start3A_53, %dma_start3A_54] : memref<10240x16xf32, #tpu.memory_space<vmem_shared>> -> memref<10240x16xf32, #tpu.memory_space<vmem_shared>>
      tpu.enqueue_indirect_dma source(%arg8 : memref<112x16xf32, #tpu.memory_space<vmem>>) target(%dma_start3A_55 : memref<10240x16xf32, #tpu.memory_space<vmem_shared>>) offsets(%dma_start3A_52 : memref<112xi32, #tpu.memory_space<vmem>>) semaphore(%run_scoped3A_49 : memref<!tpu.dma_semaphore, #tpu.memory_space<semaphore_mem>>) {add = true}
      %dma_wait3A_56 = arith.constant 0 : i32
      %dma_wait3A_57 = tpu.memref_slice %arg6[%run_scoped3A_43, %dma_wait3A_56] : memref<90x112xi32, #tpu.memory_space<vmem>> -> memref<1x112xi32, #tpu.memory_space<vmem>>
      %dma_wait3A_58 = tpu.memref_squeeze %dma_wait3A_57 : memref<1x112xi32, #tpu.memory_space<vmem>> -> memref<112xi32, #tpu.memory_space<vmem>>
      %dma_wait3A_59 = arith.constant 0 : i32
      %dma_wait3A_60 = arith.constant 0 : i32
      %dma_wait3A_61 = tpu.memref_slice %arg12[%dma_wait3A_59, %dma_wait3A_60] : memref<10240x16xf32, #tpu.memory_space<vmem_shared>> -> memref<10240x16xf32, #tpu.memory_space<vmem_shared>>
      tpu.wait_indirect_dma semaphore(%run_scoped3A_49 : memref<!tpu.dma_semaphore, #tpu.memory_space<semaphore_mem>>) src(%arg8 : memref<112x16xf32, #tpu.memory_space<vmem>>) dst(%dma_wait3A_61 : memref<10240x16xf32, #tpu.memory_space<vmem_shared>>)
      tpu.yield
    }) : () -> ()
    %barrier3A_44 = arith.constant 0 : index
    tpu.barrier barrier_id(%barrier3A_44)
    %mul3A_45 = arith.constant 640 : i32
    %mul3A_46 = arith.muli %arg1, %mul3A_45 : i32
    "tpu.region"() ({
      %run_scoped3A_49 = tpu.sem_alloc : memref<!tpu.dma_semaphore, #tpu.memory_space<semaphore_mem>>
      %dma_start3A_50 = arith.constant 0 : i32
      %dma_start3A_51 = tpu.memref_slice %arg12[%mul3A_46, %dma_start3A_50] : memref<10240x16xf32, #tpu.memory_space<vmem_shared>> -> memref<640x16xf32, #tpu.memory_space<vmem_shared>>
      %dma_start3A_52 = arith.constant 0 : i32
      %dma_start3A_53 = tpu.memref_slice %arg12[%mul3A_46, %dma_start3A_52] : memref<10240x16xf32, #tpu.memory_space<vmem_shared>> -> memref<640x16xf32, #tpu.memory_space<vmem_shared>>
      tpu.enqueue_dma source(%dma_start3A_53 : memref<640x16xf32, #tpu.memory_space<vmem_shared>>) target(%arg11 : memref<640x16xf32, #tpu.memory_space<vmem>>) target_semaphore(%run_scoped3A_49 : memref<!tpu.dma_semaphore, #tpu.memory_space<semaphore_mem>>)
      %dma_wait3A_54 = arith.constant 0 : i32
      %dma_wait3A_55 = tpu.memref_slice %arg12[%mul3A_46, %dma_wait3A_54] : memref<10240x16xf32, #tpu.memory_space<vmem_shared>> -> memref<640x16xf32, #tpu.memory_space<vmem_shared>>
      %dma_wait3A_56 = arith.constant 0 : i32
      %dma_wait3A_57 = tpu.memref_slice %arg12[%mul3A_46, %dma_wait3A_56] : memref<10240x16xf32, #tpu.memory_space<vmem_shared>> -> memref<640x16xf32, #tpu.memory_space<vmem_shared>>
      tpu.wait_dma2 semaphore(%run_scoped3A_49 : memref<!tpu.dma_semaphore, #tpu.memory_space<semaphore_mem>>) src(%dma_wait3A_57 : memref<640x16xf32, #tpu.memory_space<vmem_shared>>) dst(%arg11 : memref<640x16xf32, #tpu.memory_space<vmem>>)
      tpu.yield
    }) : () -> ()
    %mul3A_47 = arith.constant 640 : i32
    %mul3A_48 = arith.muli %arg1, %mul3A_47 : i32
    "tpu.region"() ({
      %run_scoped3A_49 = tpu.sem_alloc : memref<!tpu.dma_semaphore, #tpu.memory_space<semaphore_mem>>
      %dma_start3A_50 = arith.constant 0 : i32
      %dma_start3A_51 = arith.constant 0 : i32
      %dma_start3A_52 = tpu.memref_slice %arg4[%arg0, %dma_start3A_50, %dma_start3A_51] : memref<2x10240x16xf32, #tpu.memory_space<hbm>> -> memref<1x10240x16xf32, #tpu.memory_space<hbm>>
      %dma_start3A_53 = tpu.memref_squeeze %dma_start3A_52 : memref<1x10240x16xf32, #tpu.memory_space<hbm>> -> memref<10240x16xf32, #tpu.memory_space<hbm>>
      %dma_start3A_54 = arith.constant 0 : i32
      %dma_start3A_55 = tpu.memref_slice %dma_start3A_53[%mul3A_48, %dma_start3A_54] : memref<10240x16xf32, #tpu.memory_space<hbm>> -> memref<640x16xf32, #tpu.memory_space<hbm>>
      %dma_start3A_56 = arith.constant 0 : i32
      %dma_start3A_57 = arith.constant 0 : i32
      %dma_start3A_58 = tpu.memref_slice %arg4[%arg0, %dma_start3A_56, %dma_start3A_57] : memref<2x10240x16xf32, #tpu.memory_space<hbm>> -> memref<1x10240x16xf32, #tpu.memory_space<hbm>>
      %dma_start3A_59 = tpu.memref_squeeze %dma_start3A_58 : memref<1x10240x16xf32, #tpu.memory_space<hbm>> -> memref<10240x16xf32, #tpu.memory_space<hbm>>
      %dma_start3A_60 = arith.constant 0 : i32
      %dma_start3A_61 = tpu.memref_slice %dma_start3A_59[%mul3A_48, %dma_start3A_60] : memref<10240x16xf32, #tpu.memory_space<hbm>> -> memref<640x16xf32, #tpu.memory_space<hbm>>
      tpu.enqueue_dma source(%arg11 : memref<640x16xf32, #tpu.memory_space<vmem>>) target(%dma_start3A_61 : memref<640x16xf32, #tpu.memory_space<hbm>>) target_semaphore(%run_scoped3A_49 : memref<!tpu.dma_semaphore, #tpu.memory_space<semaphore_mem>>)
      %dma_wait3A_62 = arith.constant 0 : i32
      %dma_wait3A_63 = arith.constant 0 : i32
      %dma_wait3A_64 = tpu.memref_slice %arg4[%arg0, %dma_wait3A_62, %dma_wait3A_63] : memref<2x10240x16xf32, #tpu.memory_space<hbm>> -> memref<1x10240x16xf32, #tpu.memory_space<hbm>>
      %dma_wait3A_65 = tpu.memref_squeeze %dma_wait3A_64 : memref<1x10240x16xf32, #tpu.memory_space<hbm>> -> memref<10240x16xf32, #tpu.memory_space<hbm>>
      %dma_wait3A_66 = arith.constant 0 : i32
      %dma_wait3A_67 = tpu.memref_slice %dma_wait3A_65[%mul3A_48, %dma_wait3A_66] : memref<10240x16xf32, #tpu.memory_space<hbm>> -> memref<640x16xf32, #tpu.memory_space<hbm>>
      %dma_wait3A_68 = arith.constant 0 : i32
      %dma_wait3A_69 = arith.constant 0 : i32
      %dma_wait3A_70 = tpu.memref_slice %arg4[%arg0, %dma_wait3A_68, %dma_wait3A_69] : memref<2x10240x16xf32, #tpu.memory_space<hbm>> -> memref<1x10240x16xf32, #tpu.memory_space<hbm>>
      %dma_wait3A_71 = tpu.memref_squeeze %dma_wait3A_70 : memref<1x10240x16xf32, #tpu.memory_space<hbm>> -> memref<10240x16xf32, #tpu.memory_space<hbm>>
      %dma_wait3A_72 = arith.constant 0 : i32
      %dma_wait3A_73 = tpu.memref_slice %dma_wait3A_71[%mul3A_48, %dma_wait3A_72] : memref<10240x16xf32, #tpu.memory_space<hbm>> -> memref<640x16xf32, #tpu.memory_space<hbm>>
      tpu.wait_dma2 semaphore(%run_scoped3A_49 : memref<!tpu.dma_semaphore, #tpu.memory_space<semaphore_mem>>) src(%arg11 : memref<640x16xf32, #tpu.memory_space<vmem>>) dst(%dma_wait3A_73 : memref<640x16xf32, #tpu.memory_space<hbm>>)
      tpu.yield
    }) : () -> ()
    return
  }
}

#map = affine_map<(d0, d1) -> (0, 0)>
#map1 = affine_map<(d0, d1) -> (0, 0, 0, 0, 0)>
#map2 = affine_map<(d0, d1) -> (0, 0, 0)>
module attributes {stable_mosaic.version = 14 : i64} {
  func.func @_agg_kernel(%arg0: i32, %arg1: i32, %arg2: memref<10000x16xf32, #tpu.memory_space<hbm>>, %arg3: memref<2x2x16x90x112xi32, #tpu.memory_space<hbm>>, %arg4: memref<2x10240x16xf32, #tpu.memory_space<hbm>>, %arg5: memref<90x112xi32, #tpu.memory_space<vmem>>, %arg6: memref<90x112xi32, #tpu.memory_space<vmem>>, %arg7: memref<112x16xf32, #tpu.memory_space<vmem>>, %arg8: memref<112x16xf32, #tpu.memory_space<vmem>>, %arg9: memref<112x16xf32, #tpu.memory_space<vmem>>, %arg10: memref<112x16xf32, #tpu.memory_space<vmem>>, %arg11: memref<640x16xf32, #tpu.memory_space<vmem>>, %arg12: memref<10240x16xf32, #tpu.memory_space<vmem_shared>>, %arg13: memref<!tpu.dma_semaphore, #tpu.memory_space<semaphore_mem>>, %arg14: memref<!tpu.dma_semaphore, #tpu.memory_space<semaphore_mem>>, %arg15: memref<!tpu.dma_semaphore, #tpu.memory_space<semaphore_mem>>, %arg16: memref<!tpu.dma_semaphore, #tpu.memory_space<semaphore_mem>>, %arg17: memref<!tpu.dma_semaphore, #tpu.memory_space<semaphore_mem>>, %arg18: memref<!tpu.dma_semaphore, #tpu.memory_space<semaphore_mem>>, %arg19: memref<!tpu.dma_semaphore, #tpu.memory_space<semaphore_mem>>, %arg20: memref<!tpu.dma_semaphore, #tpu.memory_space<semaphore_mem>>) attributes {dimension_semantics = [#tpu.dimension_semantics<core_parallel>, #tpu.dimension_semantics<subcore_parallel>], iteration_bounds = array<i64: 2, 16>, scalar_prefetch = 0 : i64, scratch_operands = 16 : i64, tpu.core_type = #tpu.core_type<sc_vector_subcore>, window_params = [{transform_indices = #map}, {transform_indices = #map1}, {transform_indices = #map2}]} {
    %run_scoped3A = arith.constant 0 : i32
    "tpu.region"() ({
      %run_scoped3A_49 = tpu.sem_alloc : memref<!tpu.dma_semaphore, #tpu.memory_space<semaphore_mem>>
      %dma_start3A_50 = arith.constant 0 : i32
      %dma_start3A_51 = arith.constant 0 : i32
      %dma_start3A_52 = tpu.memref_slice %arg3[%run_scoped3A, %arg0, %arg1, %dma_start3A_50, %dma_start3A_51] : memref<2x2x16x90x112xi32, #tpu.memory_space<hbm>> -> memref<1x1x1x90x112xi32, #tpu.memory_space<hbm>>
      %dma_start3A_53 = tpu.memref_squeeze %dma_start3A_52 : memref<1x1x1x90x112xi32, #tpu.memory_space<hbm>> -> memref<90x112xi32, #tpu.memory_space<hbm>>
      %dma_start3A_54 = arith.constant 0 : i32
      %dma_start3A_55 = arith.constant 0 : i32
      %dma_start3A_56 = tpu.memref_slice %arg3[%run_scoped3A, %arg0, %arg1, %dma_start3A_54, %dma_start3A_55] : memref<2x2x16x90x112xi32, #tpu.memory_space<hbm>> -> memref<1x1x1x90x112xi32, #tpu.memory_space<hbm>>
      %dma_start3A_57 = tpu.memref_squeeze %dma_start3A_56 : memref<1x1x1x90x112xi32, #tpu.memory_space<hbm>> -> memref<90x112xi32, #tpu.memory_space<hbm>>
      tpu.enqueue_dma source(%dma_start3A_57 : memref<90x112xi32, #tpu.memory_space<hbm>>) target(%arg5 : memref<90x112xi32, #tpu.memory_space<vmem>>) target_semaphore(%run_scoped3A_49 : memref<!tpu.dma_semaphore, #tpu.memory_space<semaphore_mem>>)
      %dma_wait3A_58 = arith.constant 0 : i32
      %dma_wait3A_59 = arith.constant 0 : i32
      %dma_wait3A_60 = tpu.memref_slice %arg3[%run_scoped3A, %arg0, %arg1, %dma_wait3A_58, %dma_wait3A_59] : memref<2x2x16x90x112xi32, #tpu.memory_space<hbm>> -> memref<1x1x1x90x112xi32, #tpu.memory_space<hbm>>
      %dma_wait3A_61 = tpu.memref_squeeze %dma_wait3A_60 : memref<1x1x1x90x112xi32, #tpu.memory_space<hbm>> -> memref<90x112xi32, #tpu.memory_space<hbm>>
      %dma_wait3A_62 = arith.constant 0 : i32
      %dma_wait3A_63 = arith.constant 0 : i32
      %dma_wait3A_64 = tpu.memref_slice %arg3[%run_scoped3A, %arg0, %arg1, %dma_wait3A_62, %dma_wait3A_63] : memref<2x2x16x90x112xi32, #tpu.memory_space<hbm>> -> memref<1x1x1x90x112xi32, #tpu.memory_space<hbm>>
      %dma_wait3A_65 = tpu.memref_squeeze %dma_wait3A_64 : memref<1x1x1x90x112xi32, #tpu.memory_space<hbm>> -> memref<90x112xi32, #tpu.memory_space<hbm>>
      tpu.wait_dma2 semaphore(%run_scoped3A_49 : memref<!tpu.dma_semaphore, #tpu.memory_space<semaphore_mem>>) src(%dma_wait3A_65 : memref<90x112xi32, #tpu.memory_space<hbm>>) dst(%arg5 : memref<90x112xi32, #tpu.memory_space<vmem>>)
      tpu.yield
    }) : () -> ()
    %run_scoped3A_0 = arith.constant 1 : i32
    "tpu.region"() ({
      %run_scoped3A_49 = tpu.sem_alloc : memref<!tpu.dma_semaphore, #tpu.memory_space<semaphore_mem>>
      %dma_start3A_50 = arith.constant 0 : i32
      %dma_start3A_51 = arith.constant 0 : i32
      %dma_start3A_52 = tpu.memref_slice %arg3[%run_scoped3A_0, %arg0, %arg1, %dma_start3A_50, %dma_start3A_51] : memref<2x2x16x90x112xi32, #tpu.memory_space<hbm>> -> memref<1x1x1x90x112xi32, #tpu.memory_space<hbm>>
      %dma_start3A_53 = tpu.memref_squeeze %dma_start3A_52 : memref<1x1x1x90x112xi32, #tpu.memory_space<hbm>> -> memref<90x112xi32, #tpu.memory_space<hbm>>
      %dma_start3A_54 = arith.constant 0 : i32
      %dma_start3A_55 = arith.constant 0 : i32
      %dma_start3A_56 = tpu.memref_slice %arg3[%run_scoped3A_0, %arg0, %arg1, %dma_start3A_54, %dma_start3A_55] : memref<2x2x16x90x112xi32, #tpu.memory_space<hbm>> -> memref<1x1x1x90x112xi32, #tpu.memory_space<hbm>>
      %dma_start3A_57 = tpu.memref_squeeze %dma_start3A_56 : memref<1x1x1x90x112xi32, #tpu.memory_space<hbm>> -> memref<90x112xi32, #tpu.memory_space<hbm>>
      tpu.enqueue_dma source(%dma_start3A_57 : memref<90x112xi32, #tpu.memory_space<hbm>>) target(%arg6 : memref<90x112xi32, #tpu.memory_space<vmem>>) target_semaphore(%run_scoped3A_49 : memref<!tpu.dma_semaphore, #tpu.memory_space<semaphore_mem>>)
      %dma_wait3A_58 = arith.constant 0 : i32
      %dma_wait3A_59 = arith.constant 0 : i32
      %dma_wait3A_60 = tpu.memref_slice %arg3[%run_scoped3A_0, %arg0, %arg1, %dma_wait3A_58, %dma_wait3A_59] : memref<2x2x16x90x112xi32, #tpu.memory_space<hbm>> -> memref<1x1x1x90x112xi32, #tpu.memory_space<hbm>>
      %dma_wait3A_61 = tpu.memref_squeeze %dma_wait3A_60 : memref<1x1x1x90x112xi32, #tpu.memory_space<hbm>> -> memref<90x112xi32, #tpu.memory_space<hbm>>
      %dma_wait3A_62 = arith.constant 0 : i32
      %dma_wait3A_63 = arith.constant 0 : i32
      %dma_wait3A_64 = tpu.memref_slice %arg3[%run_scoped3A_0, %arg0, %arg1, %dma_wait3A_62, %dma_wait3A_63] : memref<2x2x16x90x112xi32, #tpu.memory_space<hbm>> -> memref<1x1x1x90x112xi32, #tpu.memory_space<hbm>>
      %dma_wait3A_65 = tpu.memref_squeeze %dma_wait3A_64 : memref<1x1x1x90x112xi32, #tpu.memory_space<hbm>> -> memref<90x112xi32, #tpu.memory_space<hbm>>
      tpu.wait_dma2 semaphore(%run_scoped3A_49 : memref<!tpu.dma_semaphore, #tpu.memory_space<semaphore_mem>>) src(%dma_wait3A_65 : memref<90x112xi32, #tpu.memory_space<hbm>>) dst(%arg6 : memref<90x112xi32, #tpu.memory_space<vmem>>)
      tpu.yield
    }) : () -> ()
    %broadcast_in_dim3A = arith.constant 0.000000e+00 : f32
    %broadcast_in_dim3A_1 = vector.broadcast %broadcast_in_dim3A : f32 to vector<16xf32>
    %scan3A = arith.constant 0 : i32
    %scan3A_2 = arith.constant 0 : i32
    %scan3A_3 = arith.constant 640 : i32
    %scan3A_4 = arith.addi %scan3A_2, %scan3A_3 : i32
    %scan3A_5 = arith.constant 1 : i32
    %scan3A_6 = scf.for %scan3A_49 = %scan3A_2 to %scan3A_4 step %scan3A_5 iter_args(%scan3A_50 = %scan3A) -> (i32)  : i32 {
      %swap3A = arith.index_cast %scan3A_49 : i32 to index
      %swap3A_51 = arith.constant 0 : index
      %swap3A_52 = tpu.vector_load %arg11[%swap3A, %swap3A_51] {strides = array<i32>} : memref<640x16xf32, #tpu.memory_space<vmem>>, vector<16xf32>,
      tpu.vector_store %arg11[%swap3A, %swap3A_51], %broadcast_in_dim3A_1 {strides = array<i32>} : memref<640x16xf32, #tpu.memory_space<vmem>>, vector<16xf32>,
      %scan3A_53 = arith.constant 0 : i32
      scf.yield %scan3A_53 : i32
    }
    %scan3A_7 = arith.constant 640 : i32
    %mul3A = arith.constant 640 : i32
    %mul3A_8 = arith.muli %arg1, %mul3A : i32
    "tpu.region"() ({
      %run_scoped3A_49 = tpu.sem_alloc : memref<!tpu.dma_semaphore, #tpu.memory_space<semaphore_mem>>
      %dma_start3A_50 = arith.constant 0 : i32
      %dma_start3A_51 = tpu.memref_slice %arg12[%mul3A_8, %dma_start3A_50] : memref<10240x16xf32, #tpu.memory_space<vmem_shared>> -> memref<640x16xf32, #tpu.memory_space<vmem_shared>>
      %dma_start3A_52 = arith.constant 0 : i32
      %dma_start3A_53 = tpu.memref_slice %arg12[%mul3A_8, %dma_start3A_52] : memref<10240x16xf32, #tpu.memory_space<vmem_shared>> -> memref<640x16xf32, #tpu.memory_space<vmem_shared>>
      tpu.enqueue_dma source(%arg11 : memref<640x16xf32, #tpu.memory_space<vmem>>) target(%dma_start3A_53 : memref<640x16xf32, #tpu.memory_space<vmem_shared>>) target_semaphore(%run_scoped3A_49 : memref<!tpu.dma_semaphore, #tpu.memory_space<semaphore_mem>>)
      %dma_wait3A_54 = arith.constant 0 : i32
      %dma_wait3A_55 = tpu.memref_slice %arg12[%mul3A_8, %dma_wait3A_54] : memref<10240x16xf32, #tpu.memory_space<vmem_shared>> -> memref<640x16xf32, #tpu.memory_space<vmem_shared>>
      %dma_wait3A_56 = arith.constant 0 : i32
      %dma_wait3A_57 = tpu.memref_slice %arg12[%mul3A_8, %dma_wait3A_56] : memref<10240x16xf32, #tpu.memory_space<vmem_shared>> -> memref<640x16xf32, #tpu.memory_space<vmem_shared>>
      tpu.wait_dma2 semaphore(%run_scoped3A_49 : memref<!tpu.dma_semaphore, #tpu.memory_space<semaphore_mem>>) src(%arg11 : memref<640x16xf32, #tpu.memory_space<vmem>>) dst(%dma_wait3A_57 : memref<640x16xf32, #tpu.memory_space<vmem_shared>>)
      tpu.yield
    }) : () -> ()
    %barrier3A = arith.constant 0 : index
    tpu.barrier barrier_id(%barrier3A)
    %dma_start3A = arith.constant 0 : i32
    %dma_start3A_9 = arith.constant 0 : i32
    %dma_start3A_10 = tpu.memref_slice %arg5[%dma_start3A, %dma_start3A_9] : memref<90x112xi32, #tpu.memory_space<vmem>> -> memref<1x112xi32, #tpu.memory_space<vmem>>
    %dma_start3A_11 = tpu.memref_squeeze %dma_start3A_10 : memref<1x112xi32, #tpu.memory_space<vmem>> -> memref<112xi32, #tpu.memory_space<vmem>>
    %dma_start3A_12 = arith.constant 0 : i32
    %dma_start3A_13 = arith.constant 0 : i32
    %dma_start3A_14 = tpu.memref_slice %arg2[%dma_start3A_12, %dma_start3A_13] : memref<10000x16xf32, #tpu.memory_space<hbm>> -> memref<10000x16xf32, #tpu.memory_space<hbm>>
    tpu.enqueue_indirect_dma source(%dma_start3A_14 : memref<10000x16xf32, #tpu.memory_space<hbm>>) target(%arg7 : memref<112x16xf32, #tpu.memory_space<vmem>>) offsets(%dma_start3A_11 : memref<112xi32, #tpu.memory_space<vmem>>) semaphore(%arg13 : memref<!tpu.dma_semaphore, #tpu.memory_space<semaphore_mem>>)
    %scan3A_15 = arith.constant 0 : i32
    %scan3A_16 = arith.constant 0 : i32
    %scan3A_17 = arith.constant 44 : i32
    %scan3A_18 = arith.addi %scan3A_16, %scan3A_17 : i32
    %scan3A_19 = arith.constant 1 : i32
    %scan3A_20 = scf.for %scan3A_49 = %scan3A_16 to %scan3A_18 step %scan3A_19 iter_args(%scan3A_50 = %scan3A_15) -> (i32)  : i32 {
      %mul3A_51 = arith.constant 2 : i32
      %mul3A_52 = arith.muli %mul3A_51, %scan3A_49 : i32
      %add3A = arith.constant 1 : i32
      %add3A_53 = arith.addi %mul3A_52, %add3A : i32
      %dma_start3A_54 = arith.constant 0 : i32
      %dma_start3A_55 = tpu.memref_slice %arg5[%add3A_53, %dma_start3A_54] : memref<90x112xi32, #tpu.memory_space<vmem>> -> memref<1x112xi32, #tpu.memory_space<vmem>>
      %dma_start3A_56 = tpu.memref_squeeze %dma_start3A_55 : memref<1x112xi32, #tpu.memory_space<vmem>> -> memref<112xi32, #tpu.memory_space<vmem>>
      %dma_start3A_57 = arith.constant 0 : i32
      %dma_start3A_58 = arith.constant 0 : i32
      %dma_start3A_59 = tpu.memref_slice %arg2[%dma_start3A_57, %dma_start3A_58] : memref<10000x16xf32, #tpu.memory_space<hbm>> -> memref<10000x16xf32, #tpu.memory_space<hbm>>
      tpu.enqueue_indirect_dma source(%dma_start3A_59 : memref<10000x16xf32, #tpu.memory_space<hbm>>) target(%arg8 : memref<112x16xf32, #tpu.memory_space<vmem>>) offsets(%dma_start3A_56 : memref<112xi32, #tpu.memory_space<vmem>>) semaphore(%arg14 : memref<!tpu.dma_semaphore, #tpu.memory_space<semaphore_mem>>)
      %dma_wait3A_60 = arith.constant 0 : i32
      %dma_wait3A_61 = tpu.memref_slice %arg5[%mul3A_52, %dma_wait3A_60] : memref<90x112xi32, #tpu.memory_space<vmem>> -> memref<1x112xi32, #tpu.memory_space<vmem>>
      %dma_wait3A_62 = tpu.memref_squeeze %dma_wait3A_61 : memref<1x112xi32, #tpu.memory_space<vmem>> -> memref<112xi32, #tpu.memory_space<vmem>>
      %dma_wait3A_63 = arith.constant 0 : i32
      %dma_wait3A_64 = arith.constant 0 : i32
      %dma_wait3A_65 = tpu.memref_slice %arg2[%dma_wait3A_63, %dma_wait3A_64] : memref<10000x16xf32, #tpu.memory_space<hbm>> -> memref<10000x16xf32, #tpu.memory_space<hbm>>
      tpu.wait_indirect_dma semaphore(%arg13 : memref<!tpu.dma_semaphore, #tpu.memory_space<semaphore_mem>>) src(%dma_wait3A_65 : memref<10000x16xf32, #tpu.memory_space<hbm>>) dst(%arg7 : memref<112x16xf32, #tpu.memory_space<vmem>>)
      "tpu.region"() ({
        %run_scoped3A_83 = tpu.sem_alloc : memref<!tpu.dma_semaphore, #tpu.memory_space<semaphore_mem>>
        %dma_start3A_84 = arith.constant 0 : i32
        %dma_start3A_85 = tpu.memref_slice %arg6[%mul3A_52, %dma_start3A_84] : memref<90x112xi32, #tpu.memory_space<vmem>> -> memref<1x112xi32, #tpu.memory_space<vmem>>
        %dma_start3A_86 = tpu.memref_squeeze %dma_start3A_85 : memref<1x112xi32, #tpu.memory_space<vmem>> -> memref<112xi32, #tpu.memory_space<vmem>>
        %dma_start3A_87 = arith.constant 0 : i32
        %dma_start3A_88 = arith.constant 0 : i32
        %dma_start3A_89 = tpu.memref_slice %arg12[%dma_start3A_87, %dma_start3A_88] : memref<10240x16xf32, #tpu.memory_space<vmem_shared>> -> memref<10240x16xf32, #tpu.memory_space<vmem_shared>>
        tpu.enqueue_indirect_dma source(%arg7 : memref<112x16xf32, #tpu.memory_space<vmem>>) target(%dma_start3A_89 : memref<10240x16xf32, #tpu.memory_space<vmem_shared>>) offsets(%dma_start3A_86 : memref<112xi32, #tpu.memory_space<vmem>>) semaphore(%run_scoped3A_83 : memref<!tpu.dma_semaphore, #tpu.memory_space<semaphore_mem>>) {add = true}
        %dma_wait3A_90 = arith.constant 0 : i32
        %dma_wait3A_91 = tpu.memref_slice %arg6[%mul3A_52, %dma_wait3A_90] : memref<90x112xi32, #tpu.memory_space<vmem>> -> memref<1x112xi32, #tpu.memory_space<vmem>>
        %dma_wait3A_92 = tpu.memref_squeeze %dma_wait3A_91 : memref<1x112xi32, #tpu.memory_space<vmem>> -> memref<112xi32, #tpu.memory_space<vmem>>
        %dma_wait3A_93 = arith.constant 0 : i32
        %dma_wait3A_94 = arith.constant 0 : i32
        %dma_wait3A_95 = tpu.memref_slice %arg12[%dma_wait3A_93, %dma_wait3A_94] : memref<10240x16xf32, #tpu.memory_space<vmem_shared>> -> memref<10240x16xf32, #tpu.memory_space<vmem_shared>>
        tpu.wait_indirect_dma semaphore(%run_scoped3A_83 : memref<!tpu.dma_semaphore, #tpu.memory_space<semaphore_mem>>) src(%arg7 : memref<112x16xf32, #tpu.memory_space<vmem>>) dst(%dma_wait3A_95 : memref<10240x16xf32, #tpu.memory_space<vmem_shared>>)
        tpu.yield
      }) : () -> ()
      %add3A_66 = arith.constant 2 : i32
      %add3A_67 = arith.addi %mul3A_52, %add3A_66 : i32
      %dma_start3A_68 = arith.constant 0 : i32
      %dma_start3A_69 = tpu.memref_slice %arg5[%add3A_67, %dma_start3A_68] : memref<90x112xi32, #tpu.memory_space<vmem>> -> memref<1x112xi32, #tpu.memory_space<vmem>>
      %dma_start3A_70 = tpu.memref_squeeze %dma_start3A_69 : memref<1x112xi32, #tpu.memory_space<vmem>> -> memref<112xi32, #tpu.memory_space<vmem>>
      %dma_start3A_71 = arith.constant 0 : i32
      %dma_start3A_72 = arith.constant 0 : i32
      %dma_start3A_73 = tpu.memref_slice %arg2[%dma_start3A_71, %dma_start3A_72] : memref<10000x16xf32, #tpu.memory_space<hbm>> -> memref<10000x16xf32, #tpu.memory_space<hbm>>
      tpu.enqueue_indirect_dma source(%dma_start3A_73 : memref<10000x16xf32, #tpu.memory_space<hbm>>) target(%arg7 : memref<112x16xf32, #tpu.memory_space<vmem>>) offsets(%dma_start3A_70 : memref<112xi32, #tpu.memory_space<vmem>>) semaphore(%arg13 : memref<!tpu.dma_semaphore, #tpu.memory_space<semaphore_mem>>)
      %add3A_74 = arith.constant 1 : i32
      %add3A_75 = arith.addi %mul3A_52, %add3A_74 : i32
      %dma_wait3A_76 = arith.constant 0 : i32
      %dma_wait3A_77 = tpu.memref_slice %arg5[%add3A_75, %dma_wait3A_76] : memref<90x112xi32, #tpu.memory_space<vmem>> -> memref<1x112xi32, #tpu.memory_space<vmem>>
      %dma_wait3A_78 = tpu.memref_squeeze %dma_wait3A_77 : memref<1x112xi32, #tpu.memory_space<vmem>> -> memref<112xi32, #tpu.memory_space<vmem>>
      %dma_wait3A_79 = arith.constant 0 : i32
      %dma_wait3A_80 = arith.constant 0 : i32
      %dma_wait3A_81 = tpu.memref_slice %arg2[%dma_wait3A_79, %dma_wait3A_80] : memref<10000x16xf32, #tpu.memory_space<hbm>> -> memref<10000x16xf32, #tpu.memory_space<hbm>>
      tpu.wait_indirect_dma semaphore(%arg14 : memref<!tpu.dma_semaphore, #tpu.memory_space<semaphore_mem>>) src(%dma_wait3A_81 : memref<10000x16xf32, #tpu.memory_space<hbm>>) dst(%arg8 : memref<112x16xf32, #tpu.memory_space<vmem>>)
      "tpu.region"() ({
        %run_scoped3A_83 = tpu.sem_alloc : memref<!tpu.dma_semaphore, #tpu.memory_space<semaphore_mem>>
        %dma_start3A_84 = arith.constant 0 : i32
        %dma_start3A_85 = tpu.memref_slice %arg6[%add3A_75, %dma_start3A_84] : memref<90x112xi32, #tpu.memory_space<vmem>> -> memref<1x112xi32, #tpu.memory_space<vmem>>
        %dma_start3A_86 = tpu.memref_squeeze %dma_start3A_85 : memref<1x112xi32, #tpu.memory_space<vmem>> -> memref<112xi32, #tpu.memory_space<vmem>>
        %dma_start3A_87 = arith.constant 0 : i32
        %dma_start3A_88 = arith.constant 0 : i32
        %dma_start3A_89 = tpu.memref_slice %arg12[%dma_start3A_87, %dma_start3A_88] : memref<10240x16xf32, #tpu.memory_space<vmem_shared>> -> memref<10240x16xf32, #tpu.memory_space<vmem_shared>>
        tpu.enqueue_indirect_dma source(%arg8 : memref<112x16xf32, #tpu.memory_space<vmem>>) target(%dma_start3A_89 : memref<10240x16xf32, #tpu.memory_space<vmem_shared>>) offsets(%dma_start3A_86 : memref<112xi32, #tpu.memory_space<vmem>>) semaphore(%run_scoped3A_83 : memref<!tpu.dma_semaphore, #tpu.memory_space<semaphore_mem>>) {add = true}
        %dma_wait3A_90 = arith.constant 0 : i32
        %dma_wait3A_91 = tpu.memref_slice %arg6[%add3A_75, %dma_wait3A_90] : memref<90x112xi32, #tpu.memory_space<vmem>> -> memref<1x112xi32, #tpu.memory_space<vmem>>
        %dma_wait3A_92 = tpu.memref_squeeze %dma_wait3A_91 : memref<1x112xi32, #tpu.memory_space<vmem>> -> memref<112xi32, #tpu.memory_space<vmem>>
        %dma_wait3A_93 = arith.constant 0 : i32
        %dma_wait3A_94 = arith.constant 0 : i32
        %dma_wait3A_95 = tpu.memref_slice %arg12[%dma_wait3A_93, %dma_wait3A_94] : memref<10240x16xf32, #tpu.memory_space<vmem_shared>> -> memref<10240x16xf32, #tpu.memory_space<vmem_shared>>
        tpu.wait_indirect_dma semaphore(%run_scoped3A_83 : memref<!tpu.dma_semaphore, #tpu.memory_space<semaphore_mem>>) src(%arg8 : memref<112x16xf32, #tpu.memory_space<vmem>>) dst(%dma_wait3A_95 : memref<10240x16xf32, #tpu.memory_space<vmem_shared>>)
        tpu.yield
      }) : () -> ()
      %scan3A_82 = arith.constant 0 : i32
      scf.yield %scan3A_82 : i32
    }
    %scan3A_21 = arith.constant 44 : i32
    %dma_start3A_22 = arith.constant 89 : i32
    %dma_start3A_23 = arith.constant 0 : i32
    %dma_start3A_24 = tpu.memref_slice %arg5[%dma_start3A_22, %dma_start3A_23] : memref<90x112xi32, #tpu.memory_space<vmem>> -> memref<1x112xi32, #tpu.memory_space<vmem>>
    %dma_start3A_25 = tpu.memref_squeeze %dma_start3A_24 : memref<1x112xi32, #tpu.memory_space<vmem>> -> memref<112xi32, #tpu.memory_space<vmem>>
    %dma_start3A_26 = arith.constant 0 : i32
    %dma_start3A_27 = arith.constant 0 : i32
    %dma_start3A_28 = tpu.memref_slice %arg2[%dma_start3A_26, %dma_start3A_27] : memref<10000x16xf32, #tpu.memory_space<hbm>> -> memref<10000x16xf32, #tpu.memory_space<hbm>>
    tpu.enqueue_indirect_dma source(%dma_start3A_28 : memref<10000x16xf32, #tpu.memory_space<hbm>>) target(%arg8 : memref<112x16xf32, #tpu.memory_space<vmem>>) offsets(%dma_start3A_25 : memref<112xi32, #tpu.memory_space<vmem>>) semaphore(%arg14 : memref<!tpu.dma_semaphore, #tpu.memory_space<semaphore_mem>>)
    %dma_wait3A = arith.constant 88 : i32
    %dma_wait3A_29 = arith.constant 0 : i32
    %dma_wait3A_30 = tpu.memref_slice %arg5[%dma_wait3A, %dma_wait3A_29] : memref<90x112xi32, #tpu.memory_space<vmem>> -> memref<1x112xi32, #tpu.memory_space<vmem>>
    %dma_wait3A_31 = tpu.memref_squeeze %dma_wait3A_30 : memref<1x112xi32, #tpu.memory_space<vmem>> -> memref<112xi32, #tpu.memory_space<vmem>>
    %dma_wait3A_32 = arith.constant 0 : i32
    %dma_wait3A_33 = arith.constant 0 : i32
    %dma_wait3A_34 = tpu.memref_slice %arg2[%dma_wait3A_32, %dma_wait3A_33] : memref<10000x16xf32, #tpu.memory_space<hbm>> -> memref<10000x16xf32, #tpu.memory_space<hbm>>
    tpu.wait_indirect_dma semaphore(%arg13 : memref<!tpu.dma_semaphore, #tpu.memory_space<semaphore_mem>>) src(%dma_wait3A_34 : memref<10000x16xf32, #tpu.memory_space<hbm>>) dst(%arg7 : memref<112x16xf32, #tpu.memory_space<vmem>>)
    %run_scoped3A_35 = arith.constant 88 : i32
    "tpu.region"() ({
      %run_scoped3A_49 = tpu.sem_alloc : memref<!tpu.dma_semaphore, #tpu.memory_space<semaphore_mem>>
      %dma_start3A_50 = arith.constant 0 : i32
      %dma_start3A_51 = tpu.memref_slice %arg6[%run_scoped3A_35, %dma_start3A_50] : memref<90x112xi32, #tpu.memory_space<vmem>> -> memref<1x112xi32, #tpu.memory_space<vmem>>
      %dma_start3A_52 = tpu.memref_squeeze %dma_start3A_51 : memref<1x112xi32, #tpu.memory_space<vmem>> -> memref<112xi32, #tpu.memory_space<vmem>>
      %dma_start3A_53 = arith.constant 0 : i32
      %dma_start3A_54 = arith.constant 0 : i32
      %dma_start3A_55 = tpu.memref_slice %arg12[%dma_start3A_53, %dma_start3A_54] : memref<10240x16xf32, #tpu.memory_space<vmem_shared>> -> memref<10240x16xf32, #tpu.memory_space<vmem_shared>>
      tpu.enqueue_indirect_dma source(%arg7 : memref<112x16xf32, #tpu.memory_space<vmem>>) target(%dma_start3A_55 : memref<10240x16xf32, #tpu.memory_space<vmem_shared>>) offsets(%dma_start3A_52 : memref<112xi32, #tpu.memory_space<vmem>>) semaphore(%run_scoped3A_49 : memref<!tpu.dma_semaphore, #tpu.memory_space<semaphore_mem>>) {add = true}
      %dma_wait3A_56 = arith.constant 0 : i32
      %dma_wait3A_57 = tpu.memref_slice %arg6[%run_scoped3A_35, %dma_wait3A_56] : memref<90x112xi32, #tpu.memory_space<vmem>> -> memref<1x112xi32, #tpu.memory_space<vmem>>
      %dma_wait3A_58 = tpu.memref_squeeze %dma_wait3A_57 : memref<1x112xi32, #tpu.memory_space<vmem>> -> memref<112xi32, #tpu.memory_space<vmem>>
      %dma_wait3A_59 = arith.constant 0 : i32
      %dma_wait3A_60 = arith.constant 0 : i32
      %dma_wait3A_61 = tpu.memref_slice %arg12[%dma_wait3A_59, %dma_wait3A_60] : memref<10240x16xf32, #tpu.memory_space<vmem_shared>> -> memref<10240x16xf32, #tpu.memory_space<vmem_shared>>
      tpu.wait_indirect_dma semaphore(%run_scoped3A_49 : memref<!tpu.dma_semaphore, #tpu.memory_space<semaphore_mem>>) src(%arg7 : memref<112x16xf32, #tpu.memory_space<vmem>>) dst(%dma_wait3A_61 : memref<10240x16xf32, #tpu.memory_space<vmem_shared>>)
      tpu.yield
    }) : () -> ()
    %dma_wait3A_36 = arith.constant 89 : i32
    %dma_wait3A_37 = arith.constant 0 : i32
    %dma_wait3A_38 = tpu.memref_slice %arg5[%dma_wait3A_36, %dma_wait3A_37] : memref<90x112xi32, #tpu.memory_space<vmem>> -> memref<1x112xi32, #tpu.memory_space<vmem>>
    %dma_wait3A_39 = tpu.memref_squeeze %dma_wait3A_38 : memref<1x112xi32, #tpu.memory_space<vmem>> -> memref<112xi32, #tpu.memory_space<vmem>>
    %dma_wait3A_40 = arith.constant 0 : i32
    %dma_wait3A_41 = arith.constant 0 : i32
    %dma_wait3A_42 = tpu.memref_slice %arg2[%dma_wait3A_40, %dma_wait3A_41] : memref<10000x16xf32, #tpu.memory_space<hbm>> -> memref<10000x16xf32, #tpu.memory_space<hbm>>
    tpu.wait_indirect_dma semaphore(%arg14 : memref<!tpu.dma_semaphore, #tpu.memory_space<semaphore_mem>>) src(%dma_wait3A_42 : memref<10000x16xf32, #tpu.memory_space<hbm>>) dst(%arg8 : memref<112x16xf32, #tpu.memory_space<vmem>>)
    %run_scoped3A_43 = arith.constant 89 : i32
    "tpu.region"() ({
      %run_scoped3A_49 = tpu.sem_alloc : memref<!tpu.dma_semaphore, #tpu.memory_space<semaphore_mem>>
      %dma_start3A_50 = arith.constant 0 : i32
      %dma_start3A_51 = tpu.memref_slice %arg6[%run_scoped3A_43, %dma_start3A_50] : memref<90x112xi32, #tpu.memory_space<vmem>> -> memref<1x112xi32, #tpu.memory_space<vmem>>
      %dma_start3A_52 = tpu.memref_squeeze %dma_start3A_51 : memref<1x112xi32, #tpu.memory_space<vmem>> -> memref<112xi32, #tpu.memory_space<vmem>>
      %dma_start3A_53 = arith.constant 0 : i32
      %dma_start3A_54 = arith.constant 0 : i32
      %dma_start3A_55 = tpu.memref_slice %arg12[%dma_start3A_53, %dma_start3A_54] : memref<10240x16xf32, #tpu.memory_space<vmem_shared>> -> memref<10240x16xf32, #tpu.memory_space<vmem_shared>>
      tpu.enqueue_indirect_dma source(%arg8 : memref<112x16xf32, #tpu.memory_space<vmem>>) target(%dma_start3A_55 : memref<10240x16xf32, #tpu.memory_space<vmem_shared>>) offsets(%dma_start3A_52 : memref<112xi32, #tpu.memory_space<vmem>>) semaphore(%run_scoped3A_49 : memref<!tpu.dma_semaphore, #tpu.memory_space<semaphore_mem>>) {add = true}
      %dma_wait3A_56 = arith.constant 0 : i32
      %dma_wait3A_57 = tpu.memref_slice %arg6[%run_scoped3A_43, %dma_wait3A_56] : memref<90x112xi32, #tpu.memory_space<vmem>> -> memref<1x112xi32, #tpu.memory_space<vmem>>
      %dma_wait3A_58 = tpu.memref_squeeze %dma_wait3A_57 : memref<1x112xi32, #tpu.memory_space<vmem>> -> memref<112xi32, #tpu.memory_space<vmem>>
      %dma_wait3A_59 = arith.constant 0 : i32
      %dma_wait3A_60 = arith.constant 0 : i32
      %dma_wait3A_61 = tpu.memref_slice %arg12[%dma_wait3A_59, %dma_wait3A_60] : memref<10240x16xf32, #tpu.memory_space<vmem_shared>> -> memref<10240x16xf32, #tpu.memory_space<vmem_shared>>
      tpu.wait_indirect_dma semaphore(%run_scoped3A_49 : memref<!tpu.dma_semaphore, #tpu.memory_space<semaphore_mem>>) src(%arg8 : memref<112x16xf32, #tpu.memory_space<vmem>>) dst(%dma_wait3A_61 : memref<10240x16xf32, #tpu.memory_space<vmem_shared>>)
      tpu.yield
    }) : () -> ()
    %barrier3A_44 = arith.constant 0 : index
    tpu.barrier barrier_id(%barrier3A_44)
    %mul3A_45 = arith.constant 640 : i32
    %mul3A_46 = arith.muli %arg1, %mul3A_45 : i32
    "tpu.region"() ({
      %run_scoped3A_49 = tpu.sem_alloc : memref<!tpu.dma_semaphore, #tpu.memory_space<semaphore_mem>>
      %dma_start3A_50 = arith.constant 0 : i32
      %dma_start3A_51 = tpu.memref_slice %arg12[%mul3A_46, %dma_start3A_50] : memref<10240x16xf32, #tpu.memory_space<vmem_shared>> -> memref<640x16xf32, #tpu.memory_space<vmem_shared>>
      %dma_start3A_52 = arith.constant 0 : i32
      %dma_start3A_53 = tpu.memref_slice %arg12[%mul3A_46, %dma_start3A_52] : memref<10240x16xf32, #tpu.memory_space<vmem_shared>> -> memref<640x16xf32, #tpu.memory_space<vmem_shared>>
      tpu.enqueue_dma source(%dma_start3A_53 : memref<640x16xf32, #tpu.memory_space<vmem_shared>>) target(%arg11 : memref<640x16xf32, #tpu.memory_space<vmem>>) target_semaphore(%run_scoped3A_49 : memref<!tpu.dma_semaphore, #tpu.memory_space<semaphore_mem>>)
      %dma_wait3A_54 = arith.constant 0 : i32
      %dma_wait3A_55 = tpu.memref_slice %arg12[%mul3A_46, %dma_wait3A_54] : memref<10240x16xf32, #tpu.memory_space<vmem_shared>> -> memref<640x16xf32, #tpu.memory_space<vmem_shared>>
      %dma_wait3A_56 = arith.constant 0 : i32
      %dma_wait3A_57 = tpu.memref_slice %arg12[%mul3A_46, %dma_wait3A_56] : memref<10240x16xf32, #tpu.memory_space<vmem_shared>> -> memref<640x16xf32, #tpu.memory_space<vmem_shared>>
      tpu.wait_dma2 semaphore(%run_scoped3A_49 : memref<!tpu.dma_semaphore, #tpu.memory_space<semaphore_mem>>) src(%dma_wait3A_57 : memref<640x16xf32, #tpu.memory_space<vmem_shared>>) dst(%arg11 : memref<640x16xf32, #tpu.memory_space<vmem>>)
      tpu.yield
    }) : () -> ()
    %mul3A_47 = arith.constant 640 : i32
    %mul3A_48 = arith.muli %arg1, %mul3A_47 : i32
    "tpu.region"() ({
      %run_scoped3A_49 = tpu.sem_alloc : memref<!tpu.dma_semaphore, #tpu.memory_space<semaphore_mem>>
      %dma_start3A_50 = arith.constant 0 : i32
      %dma_start3A_51 = arith.constant 0 : i32
      %dma_start3A_52 = tpu.memref_slice %arg4[%arg0, %dma_start3A_50, %dma_start3A_51] : memref<2x10240x16xf32, #tpu.memory_space<hbm>> -> memref<1x10240x16xf32, #tpu.memory_space<hbm>>
      %dma_start3A_53 = tpu.memref_squeeze %dma_start3A_52 : memref<1x10240x16xf32, #tpu.memory_space<hbm>> -> memref<10240x16xf32, #tpu.memory_space<hbm>>
      %dma_start3A_54 = arith.constant 0 : i32
      %dma_start3A_55 = tpu.memref_slice %dma_start3A_53[%mul3A_48, %dma_start3A_54] : memref<10240x16xf32, #tpu.memory_space<hbm>> -> memref<640x16xf32, #tpu.memory_space<hbm>>
      %dma_start3A_56 = arith.constant 0 : i32
      %dma_start3A_57 = arith.constant 0 : i32
      %dma_start3A_58 = tpu.memref_slice %arg4[%arg0, %dma_start3A_56, %dma_start3A_57] : memref<2x10240x16xf32, #tpu.memory_space<hbm>> -> memref<1x10240x16xf32, #tpu.memory_space<hbm>>
      %dma_start3A_59 = tpu.memref_squeeze %dma_start3A_58 : memref<1x10240x16xf32, #tpu.memory_space<hbm>> -> memref<10240x16xf32, #tpu.memory_space<hbm>>
      %dma_start3A_60 = arith.constant 0 : i32
      %dma_start3A_61 = tpu.memref_slice %dma_start3A_59[%mul3A_48, %dma_start3A_60] : memref<10240x16xf32, #tpu.memory_space<hbm>> -> memref<640x16xf32, #tpu.memory_space<hbm>>
      tpu.enqueue_dma source(%arg11 : memref<640x16xf32, #tpu.memory_space<vmem>>) target(%dma_start3A_61 : memref<640x16xf32, #tpu.memory_space<hbm>>) target_semaphore(%run_scoped3A_49 : memref<!tpu.dma_semaphore, #tpu.memory_space<semaphore_mem>>)
      %dma_wait3A_62 = arith.constant 0 : i32
      %dma_wait3A_63 = arith.constant 0 : i32
      %dma_wait3A_64 = tpu.memref_slice %arg4[%arg0, %dma_wait3A_62, %dma_wait3A_63] : memref<2x10240x16xf32, #tpu.memory_space<hbm>> -> memref<1x10240x16xf32, #tpu.memory_space<hbm>>
      %dma_wait3A_65 = tpu.memref_squeeze %dma_wait3A_64 : memref<1x10240x16xf32, #tpu.memory_space<hbm>> -> memref<10240x16xf32, #tpu.memory_space<hbm>>
      %dma_wait3A_66 = arith.constant 0 : i32
      %dma_wait3A_67 = tpu.memref_slice %dma_wait3A_65[%mul3A_48, %dma_wait3A_66] : memref<10240x16xf32, #tpu.memory_space<hbm>> -> memref<640x16xf32, #tpu.memory_space<hbm>>
      %dma_wait3A_68 = arith.constant 0 : i32
      %dma_wait3A_69 = arith.constant 0 : i32
      %dma_wait3A_70 = tpu.memref_slice %arg4[%arg0, %dma_wait3A_68, %dma_wait3A_69] : memref<2x10240x16xf32, #tpu.memory_space<hbm>> -> memref<1x10240x16xf32, #tpu.memory_space<hbm>>
      %dma_wait3A_71 = tpu.memref_squeeze %dma_wait3A_70 : memref<1x10240x16xf32, #tpu.memory_space<hbm>> -> memref<10240x16xf32, #tpu.memory_space<hbm>>
      %dma_wait3A_72 = arith.constant 0 : i32
      %dma_wait3A_73 = tpu.memref_slice %dma_wait3A_71[%mul3A_48, %dma_wait3A_72] : memref<10240x16xf32, #tpu.memory_space<hbm>> -> memref<640x16xf32, #tpu.memory_space<hbm>>
      tpu.wait_dma2 semaphore(%run_scoped3A_49 : memref<!tpu.dma_semaphore, #tpu.memory_space<semaphore_mem>>) src(%arg11 : memref<640x16xf32, #tpu.memory_space<vmem>>) dst(%dma_wait3A_73 : memref<640x16xf32, #tpu.memory_space<hbm>>)
      tpu.yield
    }) : () -> ()
    return
  }
}

#map = affine_map<(d0, d1) -> (0, 0, 0, 0, 0)>
#map1 = affine_map<(d0, d1) -> (0, 0, 0)>
module attributes {stable_mosaic.version = 14 : i64} {
  func.func @_deg_kernel(%arg0: i32, %arg1: i32, %arg2: memref<2x2x16x90x112xi32, #tpu.memory_space<hbm>>, %arg3: memref<2x16x10000xf32, #tpu.memory_space<hbm>>, %arg4: memref<90x112xi32, #tpu.memory_space<vmem>>, %arg5: memref<10016xf32, #tpu.memory_space<vmem>>) attributes {dimension_semantics = [#tpu.dimension_semantics<core_parallel>, #tpu.dimension_semantics<subcore_parallel>], iteration_bounds = array<i64: 2, 16>, scalar_prefetch = 0 : i64, scratch_operands = 2 : i64, tpu.core_type = #tpu.core_type<sc_vector_subcore>, window_params = [{transform_indices = #map}, {transform_indices = #map1}]} {
    %run_scoped3A = arith.constant 1 : i32
    "tpu.region"() ({
      %run_scoped3A_16 = tpu.sem_alloc : memref<!tpu.dma_semaphore, #tpu.memory_space<semaphore_mem>>
      %dma_start3A = arith.constant 0 : i32
      %dma_start3A_17 = arith.constant 0 : i32
      %dma_start3A_18 = tpu.memref_slice %arg2[%run_scoped3A, %arg0, %arg1, %dma_start3A, %dma_start3A_17] : memref<2x2x16x90x112xi32, #tpu.memory_space<hbm>> -> memref<1x1x1x90x112xi32, #tpu.memory_space<hbm>>
      %dma_start3A_19 = tpu.memref_squeeze %dma_start3A_18 : memref<1x1x1x90x112xi32, #tpu.memory_space<hbm>> -> memref<90x112xi32, #tpu.memory_space<hbm>>
      %dma_start3A_20 = arith.constant 0 : i32
      %dma_start3A_21 = arith.constant 0 : i32
      %dma_start3A_22 = tpu.memref_slice %arg2[%run_scoped3A, %arg0, %arg1, %dma_start3A_20, %dma_start3A_21] : memref<2x2x16x90x112xi32, #tpu.memory_space<hbm>> -> memref<1x1x1x90x112xi32, #tpu.memory_space<hbm>>
      %dma_start3A_23 = tpu.memref_squeeze %dma_start3A_22 : memref<1x1x1x90x112xi32, #tpu.memory_space<hbm>> -> memref<90x112xi32, #tpu.memory_space<hbm>>
      tpu.enqueue_dma source(%dma_start3A_23 : memref<90x112xi32, #tpu.memory_space<hbm>>) target(%arg4 : memref<90x112xi32, #tpu.memory_space<vmem>>) target_semaphore(%run_scoped3A_16 : memref<!tpu.dma_semaphore, #tpu.memory_space<semaphore_mem>>)
      %dma_wait3A = arith.constant 0 : i32
      %dma_wait3A_24 = arith.constant 0 : i32
      %dma_wait3A_25 = tpu.memref_slice %arg2[%run_scoped3A, %arg0, %arg1, %dma_wait3A, %dma_wait3A_24] : memref<2x2x16x90x112xi32, #tpu.memory_space<hbm>> -> memref<1x1x1x90x112xi32, #tpu.memory_space<hbm>>
      %dma_wait3A_26 = tpu.memref_squeeze %dma_wait3A_25 : memref<1x1x1x90x112xi32, #tpu.memory_space<hbm>> -> memref<90x112xi32, #tpu.memory_space<hbm>>
      %dma_wait3A_27 = arith.constant 0 : i32
      %dma_wait3A_28 = arith.constant 0 : i32
      %dma_wait3A_29 = tpu.memref_slice %arg2[%run_scoped3A, %arg0, %arg1, %dma_wait3A_27, %dma_wait3A_28] : memref<2x2x16x90x112xi32, #tpu.memory_space<hbm>> -> memref<1x1x1x90x112xi32, #tpu.memory_space<hbm>>
      %dma_wait3A_30 = tpu.memref_squeeze %dma_wait3A_29 : memref<1x1x1x90x112xi32, #tpu.memory_space<hbm>> -> memref<90x112xi32, #tpu.memory_space<hbm>>
      tpu.wait_dma2 semaphore(%run_scoped3A_16 : memref<!tpu.dma_semaphore, #tpu.memory_space<semaphore_mem>>) src(%dma_wait3A_30 : memref<90x112xi32, #tpu.memory_space<hbm>>) dst(%arg4 : memref<90x112xi32, #tpu.memory_space<vmem>>)
      tpu.yield
    }) : () -> ()
    %broadcast_in_dim3A = arith.constant 0.000000e+00 : f32
    %broadcast_in_dim3A_0 = vector.broadcast %broadcast_in_dim3A : f32 to vector<16xf32>
    %scan3A = arith.constant 0 : i32
    %scan3A_1 = arith.constant 0 : i32
    %scan3A_2 = arith.constant 626 : i32
    %scan3A_3 = arith.addi %scan3A_1, %scan3A_2 : i32
    %scan3A_4 = arith.constant 1 : i32
    %scan3A_5 = scf.for %scan3A_16 = %scan3A_1 to %scan3A_3 step %scan3A_4 iter_args(%scan3A_17 = %scan3A) -> (i32)  : i32 {
      %mul3A = arith.constant 16 : i32
      %mul3A_18 = arith.muli %scan3A_16, %mul3A : i32
      %swap3A = arith.index_cast %mul3A_18 : i32 to index
      %swap3A_19 = tpu.vector_load %arg5[%swap3A] {strides = array<i32>} : memref<10016xf32, #tpu.memory_space<vmem>>, vector<16xf32>,
      tpu.vector_store %arg5[%swap3A], %broadcast_in_dim3A_0 {strides = array<i32>} : memref<10016xf32, #tpu.memory_space<vmem>>, vector<16xf32>,
      %scan3A_20 = arith.constant 0 : i32
      scf.yield %scan3A_20 : i32
    }
    %scan3A_6 = arith.constant 626 : i32
    %broadcast_in_dim3A_7 = arith.constant 1.000000e+00 : f32
    %broadcast_in_dim3A_8 = vector.broadcast %broadcast_in_dim3A_7 : f32 to vector<16xf32>
    %scan3A_9 = arith.constant 0 : i32
    %scan3A_10 = arith.constant 0 : i32
    %scan3A_11 = arith.constant 90 : i32
    %scan3A_12 = arith.addi %scan3A_10, %scan3A_11 : i32
    %scan3A_13 = arith.constant 1 : i32
    %scan3A_14 = scf.for %scan3A_16 = %scan3A_10 to %scan3A_12 step %scan3A_13 iter_args(%scan3A_17 = %scan3A_9) -> (i32)  : i32 {
      %get3A = arith.index_cast %scan3A_16 : i32 to index
      %get3A_18 = arith.constant 0 : index
      %get3A_19 = tpu.vector_load %arg4[%get3A, %get3A_18] {strides = array<i32>} : memref<90x112xi32, #tpu.memory_space<vmem>>, vector<16xi32>,
      tpu.vector_store_idx %arg5[%get3A_19], %broadcast_in_dim3A_8 {add = true} : memref<10016xf32, #tpu.memory_space<vmem>>[vector<16xi32>], vector<16xf32>,
      %get3A_20 = arith.index_cast %scan3A_16 : i32 to index
      %get3A_21 = arith.constant 16 : index
      %get3A_22 = tpu.vector_load %arg4[%get3A_20, %get3A_21] {strides = array<i32>} : memref<90x112xi32, #tpu.memory_space<vmem>>, vector<16xi32>,
      tpu.vector_store_idx %arg5[%get3A_22], %broadcast_in_dim3A_8 {add = true} : memref<10016xf32, #tpu.memory_space<vmem>>[vector<16xi32>], vector<16xf32>,
      %get3A_23 = arith.index_cast %scan3A_16 : i32 to index
      %get3A_24 = arith.constant 32 : index
      %get3A_25 = tpu.vector_load %arg4[%get3A_23, %get3A_24] {strides = array<i32>} : memref<90x112xi32, #tpu.memory_space<vmem>>, vector<16xi32>,
      tpu.vector_store_idx %arg5[%get3A_25], %broadcast_in_dim3A_8 {add = true} : memref<10016xf32, #tpu.memory_space<vmem>>[vector<16xi32>], vector<16xf32>,
      %get3A_26 = arith.index_cast %scan3A_16 : i32 to index
      %get3A_27 = arith.constant 48 : index
      %get3A_28 = tpu.vector_load %arg4[%get3A_26, %get3A_27] {strides = array<i32>} : memref<90x112xi32, #tpu.memory_space<vmem>>, vector<16xi32>,
      tpu.vector_store_idx %arg5[%get3A_28], %broadcast_in_dim3A_8 {add = true} : memref<10016xf32, #tpu.memory_space<vmem>>[vector<16xi32>], vector<16xf32>,
      %get3A_29 = arith.index_cast %scan3A_16 : i32 to index
      %get3A_30 = arith.constant 64 : index
      %get3A_31 = tpu.vector_load %arg4[%get3A_29, %get3A_30] {strides = array<i32>} : memref<90x112xi32, #tpu.memory_space<vmem>>, vector<16xi32>,
      tpu.vector_store_idx %arg5[%get3A_31], %broadcast_in_dim3A_8 {add = true} : memref<10016xf32, #tpu.memory_space<vmem>>[vector<16xi32>], vector<16xf32>,
      %get3A_32 = arith.index_cast %scan3A_16 : i32 to index
      %get3A_33 = arith.constant 80 : index
      %get3A_34 = tpu.vector_load %arg4[%get3A_32, %get3A_33] {strides = array<i32>} : memref<90x112xi32, #tpu.memory_space<vmem>>, vector<16xi32>,
      tpu.vector_store_idx %arg5[%get3A_34], %broadcast_in_dim3A_8 {add = true} : memref<10016xf32, #tpu.memory_space<vmem>>[vector<16xi32>], vector<16xf32>,
      %get3A_35 = arith.index_cast %scan3A_16 : i32 to index
      %get3A_36 = arith.constant 96 : index
      %get3A_37 = tpu.vector_load %arg4[%get3A_35, %get3A_36] {strides = array<i32>} : memref<90x112xi32, #tpu.memory_space<vmem>>, vector<16xi32>,
      tpu.vector_store_idx %arg5[%get3A_37], %broadcast_in_dim3A_8 {add = true} : memref<10016xf32, #tpu.memory_space<vmem>>[vector<16xi32>], vector<16xf32>,
      %scan3A_38 = arith.constant 0 : i32
      scf.yield %scan3A_38 : i32
    }
    %scan3A_15 = arith.constant 90 : i32
    "tpu.region"() ({
      %run_scoped3A_16 = tpu.sem_alloc : memref<!tpu.dma_semaphore, #tpu.memory_space<semaphore_mem>>
      %dma_start3A = arith.constant 0 : i32
      %dma_start3A_17 = tpu.memref_slice %arg5[%dma_start3A] : memref<10016xf32, #tpu.memory_space<vmem>> -> memref<10000xf32, #tpu.memory_space<vmem>>
      %dma_start3A_18 = arith.constant 0 : i32
      %dma_start3A_19 = tpu.memref_slice %arg3[%arg0, %arg1, %dma_start3A_18] : memref<2x16x10000xf32, #tpu.memory_space<hbm>> -> memref<1x1x10000xf32, #tpu.memory_space<hbm>>
      %dma_start3A_20 = tpu.memref_squeeze %dma_start3A_19 : memref<1x1x10000xf32, #tpu.memory_space<hbm>> -> memref<10000xf32, #tpu.memory_space<hbm>>
      %dma_start3A_21 = arith.constant 0 : i32
      %dma_start3A_22 = tpu.memref_slice %arg3[%arg0, %arg1, %dma_start3A_21] : memref<2x16x10000xf32, #tpu.memory_space<hbm>> -> memref<1x1x10000xf32, #tpu.memory_space<hbm>>
      %dma_start3A_23 = tpu.memref_squeeze %dma_start3A_22 : memref<1x1x10000xf32, #tpu.memory_space<hbm>> -> memref<10000xf32, #tpu.memory_space<hbm>>
      %dma_start3A_24 = arith.constant 0 : i32
      %dma_start3A_25 = tpu.memref_slice %arg5[%dma_start3A_24] : memref<10016xf32, #tpu.memory_space<vmem>> -> memref<10000xf32, #tpu.memory_space<vmem>>
      tpu.enqueue_dma source(%dma_start3A_25 : memref<10000xf32, #tpu.memory_space<vmem>>) target(%dma_start3A_23 : memref<10000xf32, #tpu.memory_space<hbm>>) target_semaphore(%run_scoped3A_16 : memref<!tpu.dma_semaphore, #tpu.memory_space<semaphore_mem>>)
      %dma_wait3A = arith.constant 0 : i32
      %dma_wait3A_26 = tpu.memref_slice %arg5[%dma_wait3A] : memref<10016xf32, #tpu.memory_space<vmem>> -> memref<10000xf32, #tpu.memory_space<vmem>>
      %dma_wait3A_27 = arith.constant 0 : i32
      %dma_wait3A_28 = tpu.memref_slice %arg3[%arg0, %arg1, %dma_wait3A_27] : memref<2x16x10000xf32, #tpu.memory_space<hbm>> -> memref<1x1x10000xf32, #tpu.memory_space<hbm>>
      %dma_wait3A_29 = tpu.memref_squeeze %dma_wait3A_28 : memref<1x1x10000xf32, #tpu.memory_space<hbm>> -> memref<10000xf32, #tpu.memory_space<hbm>>
      %dma_wait3A_30 = arith.constant 0 : i32
      %dma_wait3A_31 = tpu.memref_slice %arg3[%arg0, %arg1, %dma_wait3A_30] : memref<2x16x10000xf32, #tpu.memory_space<hbm>> -> memref<1x1x10000xf32, #tpu.memory_space<hbm>>
      %dma_wait3A_32 = tpu.memref_squeeze %dma_wait3A_31 : memref<1x1x10000xf32, #tpu.memory_space<hbm>> -> memref<10000xf32, #tpu.memory_space<hbm>>
      %dma_wait3A_33 = arith.constant 0 : i32
      %dma_wait3A_34 = tpu.memref_slice %arg5[%dma_wait3A_33] : memref<10016xf32, #tpu.memory_space<vmem>> -> memref<10000xf32, #tpu.memory_space<vmem>>
      tpu.wait_dma2 semaphore(%run_scoped3A_16 : memref<!tpu.dma_semaphore, #tpu.memory_space<semaphore_mem>>) src(%dma_wait3A_34 : memref<10000xf32, #tpu.memory_space<vmem>>) dst(%dma_wait3A_32 : memref<10000xf32, #tpu.memory_space<hbm>>)
      tpu.yield
    }) : () -> ()
    return
  }
}

module attributes {stable_mosaic.version = 14 : i64} {
  func.func @_prep1_body(%arg0: memref<10000x128xf32, #tpu.memory_space<vmem>>, %arg1: memref<128x16xf32, #tpu.memory_space<vmem>>, %arg2: memref<2x16x10000xf32, #tpu.memory_space<vmem>>, %arg3: memref<10000x16xf32, #tpu.memory_space<vmem>>) attributes {dimension_semantics = [], scalar_prefetch = 0 : i64, scratch_operands = 0 : i64, tpu.core_type = #tpu.core_type<tc>} {
    %get3A = arith.constant 0 : index
    %get3A_0 = arith.constant 0 : index
    %get3A_1 = vector.load %arg0[%get3A, %get3A_0] : memref<10000x128xf32, #tpu.memory_space<vmem>>, vector<10000x128xf32>
    %get3A_2 = arith.constant 0 : index
    %get3A_3 = arith.constant 0 : index
    %get3A_4 = vector.load %arg1[%get3A_2, %get3A_3] : memref<128x16xf32, #tpu.memory_space<vmem>>, vector<128x16xf32>
    %dot_general3A = arith.constant dense<0.000000e+00> : vector<10000x16xf32>
    %dot_general3A_5 = tpu.matmul %get3A_1, %get3A_4, %dot_general3A {dimension_numbers = #tpu.dot_dimension_numbers<[1], [0], [0], [1], [0, 0, 1, 1], [], []>, transpose_lhs_hint = false} : vector<10000x128xf32>, vector<128x16xf32>, vector<10000x16xf32> -> vector<10000x16xf32>
    %get3A_6 = arith.constant 0 : index
    %get3A_7 = arith.constant 0 : index
    %get3A_8 = arith.constant 0 : index
    %get3A_9 = vector.load %arg2[%get3A_6, %get3A_7, %get3A_8] : memref<2x16x10000xf32, #tpu.memory_space<vmem>>, vector<2x16x10000xf32>
    %reduce_sum3A = arith.constant dense<0.000000e+00> : vector<16x10000xf32>
    %reduce_sum3A_10 = vector.multi_reduction <add>, %get3A_9, %reduce_sum3A [0] : vector<2x16x10000xf32> to vector<16x10000xf32>
    %reduce_sum3A_11 = arith.constant dense<0.000000e+00> : vector<10000xf32>
    %reduce_sum3A_12 = vector.multi_reduction <add>, %reduce_sum3A_10, %reduce_sum3A_11 [0] : vector<16x10000xf32> to vector<10000xf32>
    %add3A = arith.constant 1.000000e+00 : f32
    %add3A_13 = vector.broadcast %add3A : f32 to vector<10000xf32>
    %add3A_14 = arith.addf %reduce_sum3A_12, %add3A_13 : vector<10000xf32>
    %rsqrt3A = math.rsqrt %add3A_14 : vector<10000xf32>
    %reshape3A = vector.shape_cast %rsqrt3A : vector<10000xf32> to vector<10000x1xf32>
    %mul3A = vector.broadcast %reshape3A : vector<10000x1xf32> to vector<10000x16xf32>
    %mul3A_15 = arith.mulf %dot_general3A_5, %mul3A : vector<10000x16xf32>
    %swap3A = arith.constant 0 : index
    %swap3A_16 = arith.constant 0 : index
    %swap3A_17 = vector.load %arg3[%swap3A, %swap3A_16] : memref<10000x16xf32, #tpu.memory_space<vmem>>, vector<10000x16xf32>
    tpu.vector_store %arg3[%swap3A, %swap3A_16], %mul3A_15 {strides = array<i32>} : memref<10000x16xf32, #tpu.memory_space<vmem>>, vector<10000x16xf32>,
    return
  }
}

module attributes {stable_mosaic.version = 14 : i64} {
  func.func @_prep2_body(%arg0: memref<2x10240x16xf32, #tpu.memory_space<vmem>>, %arg1: memref<10000x16xf32, #tpu.memory_space<vmem>>, %arg2: memref<2x16x10000xf32, #tpu.memory_space<vmem>>, %arg3: memref<1x16xf32, #tpu.memory_space<vmem>>, %arg4: memref<10000x16xf32, #tpu.memory_space<vmem>>) attributes {dimension_semantics = [], scalar_prefetch = 0 : i64, scratch_operands = 0 : i64, tpu.core_type = #tpu.core_type<tc>} {
    %get3A = arith.constant 0 : index
    %get3A_0 = arith.constant 0 : index
    %get3A_1 = arith.constant 0 : index
    %get3A_2 = vector.load %arg2[%get3A, %get3A_0, %get3A_1] : memref<2x16x10000xf32, #tpu.memory_space<vmem>>, vector<2x16x10000xf32>
    %reduce_sum3A = arith.constant dense<0.000000e+00> : vector<16x10000xf32>
    %reduce_sum3A_3 = vector.multi_reduction <add>, %get3A_2, %reduce_sum3A [0] : vector<2x16x10000xf32> to vector<16x10000xf32>
    %reduce_sum3A_4 = arith.constant dense<0.000000e+00> : vector<10000xf32>
    %reduce_sum3A_5 = vector.multi_reduction <add>, %reduce_sum3A_3, %reduce_sum3A_4 [0] : vector<16x10000xf32> to vector<10000xf32>
    %add3A = arith.constant 1.000000e+00 : f32
    %add3A_6 = vector.broadcast %add3A : f32 to vector<10000xf32>
    %add3A_7 = arith.addf %reduce_sum3A_5, %add3A_6 : vector<10000xf32>
    %rsqrt3A = math.rsqrt %add3A_7 : vector<10000xf32>
    %reshape3A = vector.shape_cast %rsqrt3A : vector<10000xf32> to vector<10000x1xf32>
    %get3A_8 = arith.constant 0 : index
    %get3A_9 = arith.constant 0 : index
    %get3A_10 = arith.constant 0 : index
    %get3A_11 = vector.load %arg0[%get3A_8, %get3A_9, %get3A_10] : memref<2x10240x16xf32, #tpu.memory_space<vmem>>, vector<1x10240x16xf32>
    %get3A_12 = vector.shape_cast %get3A_11 : vector<1x10240x16xf32> to vector<10240x16xf32>
    %get3A_13 = arith.constant 1 : index
    %get3A_14 = arith.constant 0 : index
    %get3A_15 = arith.constant 0 : index
    %get3A_16 = vector.load %arg0[%get3A_13, %get3A_14, %get3A_15] : memref<2x10240x16xf32, #tpu.memory_space<vmem>>, vector<1x10240x16xf32>
    %get3A_17 = vector.shape_cast %get3A_16 : vector<1x10240x16xf32> to vector<10240x16xf32>
    %add3A_18 = arith.addf %get3A_12, %get3A_17 : vector<10240x16xf32>
    %slice3A = vector.extract_strided_slice %add3A_18 {offsets = [0, 0], sizes = [10000, 16], strides = [1, 1]} : vector<10240x16xf32> to vector<10000x16xf32>
    %get3A_19 = arith.constant 0 : index
    %get3A_20 = arith.constant 0 : index
    %get3A_21 = vector.load %arg1[%get3A_19, %get3A_20] : memref<10000x16xf32, #tpu.memory_space<vmem>>, vector<10000x16xf32>
    %add3A_22 = arith.addf %slice3A, %get3A_21 : vector<10000x16xf32>
    %mul3A = vector.broadcast %reshape3A : vector<10000x1xf32> to vector<10000x16xf32>
    %mul3A_23 = arith.mulf %add3A_22, %mul3A : vector<10000x16xf32>
    %get3A_24 = arith.constant 0 : index
    %get3A_25 = arith.constant 0 : index
    %get3A_26 = vector.load %arg3[%get3A_24, %get3A_25] : memref<1x16xf32, #tpu.memory_space<vmem>>, vector<1x16xf32>
    %add3A_27 = vector.broadcast %get3A_26 : vector<1x16xf32> to vector<10000x16xf32>
    %add3A_28 = arith.addf %mul3A_23, %add3A_27 : vector<10000x16xf32>
    %max3A = arith.constant 0.000000e+00 : f32
    %max3A_29 = vector.broadcast %max3A : f32 to vector<10000x16xf32>
    %max3A_30 = arith.maximumf %add3A_28, %max3A_29 : vector<10000x16xf32>
    %mul3A_31 = vector.broadcast %reshape3A : vector<10000x1xf32> to vector<10000x16xf32>
    %mul3A_32 = arith.mulf %max3A_30, %mul3A_31 : vector<10000x16xf32>
    %swap3A = arith.constant 0 : index
    %swap3A_33 = arith.constant 0 : index
    %swap3A_34 = vector.load %arg4[%swap3A, %swap3A_33] : memref<10000x16xf32, #tpu.memory_space<vmem>>, vector<10000x16xf32>
    tpu.vector_store %arg4[%swap3A, %swap3A_33], %mul3A_32 {strides = array<i32>} : memref<10000x16xf32, #tpu.memory_space<vmem>>, vector<10000x16xf32>,
    return
  }
}

module attributes {stable_mosaic.version = 14 : i64} {
  func.func @_final_body(%arg0: memref<2x10240x16xf32, #tpu.memory_space<vmem>>, %arg1: memref<10000x16xf32, #tpu.memory_space<vmem>>, %arg2: memref<2x16x10000xf32, #tpu.memory_space<vmem>>, %arg3: memref<16x40xf32, #tpu.memory_space<vmem>>, %arg4: memref<1x40xf32, #tpu.memory_space<vmem>>, %arg5: memref<10000x40xf32, #tpu.memory_space<vmem>>) attributes {dimension_semantics = [], scalar_prefetch = 0 : i64, scratch_operands = 0 : i64, tpu.core_type = #tpu.core_type<tc>} {
    %get3A = arith.constant 0 : index
    %get3A_0 = arith.constant 0 : index
    %get3A_1 = arith.constant 0 : index
    %get3A_2 = vector.load %arg0[%get3A, %get3A_0, %get3A_1] : memref<2x10240x16xf32, #tpu.memory_space<vmem>>, vector<1x10240x16xf32>
    %get3A_3 = vector.shape_cast %get3A_2 : vector<1x10240x16xf32> to vector<10240x16xf32>
    %get3A_4 = arith.constant 1 : index
    %get3A_5 = arith.constant 0 : index
    %get3A_6 = arith.constant 0 : index
    %get3A_7 = vector.load %arg0[%get3A_4, %get3A_5, %get3A_6] : memref<2x10240x16xf32, #tpu.memory_space<vmem>>, vector<1x10240x16xf32>
    %get3A_8 = vector.shape_cast %get3A_7 : vector<1x10240x16xf32> to vector<10240x16xf32>
    %add3A = arith.addf %get3A_3, %get3A_8 : vector<10240x16xf32>
    %slice3A = vector.extract_strided_slice %add3A {offsets = [0, 0], sizes = [10000, 16], strides = [1, 1]} : vector<10240x16xf32> to vector<10000x16xf32>
    %get3A_9 = arith.constant 0 : index
    %get3A_10 = arith.constant 0 : index
    %get3A_11 = vector.load %arg1[%get3A_9, %get3A_10] : memref<10000x16xf32, #tpu.memory_space<vmem>>, vector<10000x16xf32>
    %add3A_12 = arith.addf %slice3A, %get3A_11 : vector<10000x16xf32>
    %get3A_13 = arith.constant 0 : index
    %get3A_14 = arith.constant 0 : index
    %get3A_15 = arith.constant 0 : index
    %get3A_16 = vector.load %arg2[%get3A_13, %get3A_14, %get3A_15] : memref<2x16x10000xf32, #tpu.memory_space<vmem>>, vector<2x16x10000xf32>
    %reduce_sum3A = arith.constant dense<0.000000e+00> : vector<16x10000xf32>
    %reduce_sum3A_17 = vector.multi_reduction <add>, %get3A_16, %reduce_sum3A [0] : vector<2x16x10000xf32> to vector<16x10000xf32>
    %reduce_sum3A_18 = arith.constant dense<0.000000e+00> : vector<10000xf32>
    %reduce_sum3A_19 = vector.multi_reduction <add>, %reduce_sum3A_17, %reduce_sum3A_18 [0] : vector<16x10000xf32> to vector<10000xf32>
    %add3A_20 = arith.constant 1.000000e+00 : f32
    %add3A_21 = vector.broadcast %add3A_20 : f32 to vector<10000xf32>
    %add3A_22 = arith.addf %reduce_sum3A_19, %add3A_21 : vector<10000xf32>
    %rsqrt3A = math.rsqrt %add3A_22 : vector<10000xf32>
    %reshape3A = vector.shape_cast %rsqrt3A : vector<10000xf32> to vector<10000x1xf32>
    %mul3A = vector.broadcast %reshape3A : vector<10000x1xf32> to vector<10000x16xf32>
    %mul3A_23 = arith.mulf %add3A_12, %mul3A : vector<10000x16xf32>
    %get3A_24 = arith.constant 0 : index
    %get3A_25 = arith.constant 0 : index
    %get3A_26 = vector.load %arg3[%get3A_24, %get3A_25] : memref<16x40xf32, #tpu.memory_space<vmem>>, vector<16x40xf32>
    %dot_general3A = arith.constant dense<0.000000e+00> : vector<10000x40xf32>
    %dot_general3A_27 = tpu.matmul %mul3A_23, %get3A_26, %dot_general3A {dimension_numbers = #tpu.dot_dimension_numbers<[1], [0], [0], [1], [0, 0, 1, 1], [], []>, transpose_lhs_hint = false} : vector<10000x16xf32>, vector<16x40xf32>, vector<10000x40xf32> -> vector<10000x40xf32>
    %get3A_28 = arith.constant 0 : index
    %get3A_29 = arith.constant 0 : index
    %get3A_30 = vector.load %arg4[%get3A_28, %get3A_29] : memref<1x40xf32, #tpu.memory_space<vmem>>, vector<1x40xf32>
    %add3A_31 = vector.broadcast %get3A_30 : vector<1x40xf32> to vector<10000x40xf32>
    %add3A_32 = arith.addf %dot_general3A_27, %add3A_31 : vector<10000x40xf32>
    %reduce_max3A = arith.constant dense<0xFF800000> : vector<10000xf32>
    %reduce_max3A_33 = vector.multi_reduction <maximumf>, %add3A_32, %reduce_max3A [1] : vector<10000x40xf32> to vector<10000xf32>
    %broadcast_in_dim3A = vector.shape_cast %reduce_max3A_33 : vector<10000xf32> to vector<10000x1xf32>
    %sub3A = vector.broadcast %broadcast_in_dim3A : vector<10000x1xf32> to vector<10000x40xf32>
    %sub3A_34 = arith.subf %add3A_32, %sub3A : vector<10000x40xf32>
    %exp3A = math.exp %sub3A_34 : vector<10000x40xf32>
    %reduce_sum3A_35 = arith.constant dense<0.000000e+00> : vector<10000xf32>
    %reduce_sum3A_36 = vector.multi_reduction <add>, %exp3A, %reduce_sum3A_35 [1] : vector<10000x40xf32> to vector<10000xf32>
    %broadcast_in_dim3A_37 = vector.shape_cast %reduce_sum3A_36 : vector<10000xf32> to vector<10000x1xf32>
    %log3A = math.log %broadcast_in_dim3A_37 : vector<10000x1xf32>
    %add3A_38 = arith.addf %broadcast_in_dim3A, %log3A : vector<10000x1xf32>
    %sub3A_39 = vector.broadcast %add3A_38 : vector<10000x1xf32> to vector<10000x40xf32>
    %sub3A_40 = arith.subf %add3A_32, %sub3A_39 : vector<10000x40xf32>
    %swap3A = arith.constant 0 : index
    %swap3A_41 = arith.constant 0 : index
    %swap3A_42 = vector.load %arg5[%swap3A, %swap3A_41] : memref<10000x40xf32, #tpu.memory_space<vmem>>, vector<10000x40xf32>
    tpu.vector_store %arg5[%swap3A, %swap3A_41], %sub3A_40 {strides = array<i32>} : memref<10000x40xf32, #tpu.memory_space<vmem>>, vector<10000x40xf32>,
    return
  }
}

</mosaic_0001>

<sc_bundles>
// kernel: kernel.11.cloned.1.call-start
scs
__scs_entry_jumppad:
0x0: {  	(pc) =	sbr.rel $0x88, $3  }
0x1: {  	(tag) =	ssettag $0x0;
	lr =	simm.s32 $0x1  }
0x2: {  	[smem:$0x3F9B] =	sst lr;
	_ =	strace $0xD0000000  }
0x3: {  	_ = 	snop  }
0x4: {  	_ = 	snop  }
0x5: {  	_ = 	snop  }
0x6: {  	_ = 	snop  }
0x7: {  	_ = 	snop  }
__scs_overlays_trampoline_lowered:
0x8: {  	[smem:$0x3FAA] =	sst s0  }
0x9: {  	[smem:$0x3FAB] =	sst s1  }
0xa: {  	[smem:$0x3FAC] =	sst s2  }
0xb: {  	[smem:$0x3FAD] =	sst s3  }
0xc: {  	[smem:$0x3FAE] =	sst s4  }
0xd: {  	[smem:$0x3FAF] =	sst s5  }
0xe: {  	[smem:$0x3FB0] =	sst s6  }
0xf: {  	[smem:$0x3FB1] =	sst s7  }
0x10: {  	[smem:$0x3FB2] =	sst s8  }
0x11: {  	[smem:$0x3FB3] =	sst s9;
	s0 =	simm.s32 @!p0 $0x0  }
0x12: {  	s1 =	sld [smem:$0x3F99];
	s0 =	simm.s32 @p0 $0x1  }
0x13: {  	[smem:$0x3FB4] =	sst s0;
	s0 =	simm.s32 @!p1 $0x0  }
0x14: {  	s2 =	sld [smem:$0x3F98];
	s0 =	simm.s32 @p1 $0x1  }
0x15: {  	[smem:$0x3FB5] =	sst s0;
	s0 =	simm.s32 @!p2 $0x0  }
0x16: {  	s3 =	sld [smem:$0x3FDB];
	s0 =	simm.s32 @p2 $0x1  }
0x17: {  	s4 =	simm.s32 $0x1BF5;
	[smem:$0x3FB7] =	sst s0  }
0x18: {  	s0 =	sld [smem:$0x3F9A];
	_ =	swait.ge [sflag:s4], $0x0  }
0x19: {  	s7 =	sld [smem:$0x3F9B]  }
0x1a: {  	s8 =	sadd.s32 $0xFFFFE003, lr  }
0x1b: {  	s9 =	sadd.s32 $0xFFFFFEF7, lr;
	s5 =	simm.s32 $0xFFFFFFFF;
	p2 =	slt.u32 s8, $0xFFFFF086  }
0x1c: {  	p1 =	slt.u32 s9, $0xF7A;
	s5 =	simm.s32 @!p2 $0x0  }
0x1d: {  	s5 =	simm.s32 @p1 $0x1;
	p0 =	seq.s32 s7, s2  }
0x1e: {  	s7 =	smul.u32 @!p0 $0xF7A, s2;
	p2 =	seq.s32 @!p0 s5, $0x0  }
0x1f: {  	s9 =	smul.u32 $0xF7A, s1;
	s8 =	simm.s32 @!p0 $0x1BF5;
	p2 =	por !p2, p0  }
0x20: {  	[sflag:s8] =	ssyncset.s32 @!p0 $0xFFFFF086;
	s6 =	sadd.s32 @!p0 s3, s7;
	s7 =	simm.s32 @!p0 $0x108  }
0x21: {  	s3 =	sadd.s32 s3, s9;
	s6 =	sadd.s32 @!p0 $0x88, s6;
	s7 =	simm.s32 @p2 $0x1082  }
0x22: {  	[simem:s7], [sflag:s8] =	dma.local @!p0 [hbm:s6], $0xF7A  }
0x23: {  	s9 =	sor.u32 $0xD0000000, s2;
	s6 =	simm.s32 $0x108;
	_ =	swait.ge @!p0 [sflag:s8], $0x0  }
0x24: {  	s3 =	sadd.s32 $0x88, s3;
	s6 =	simm.s32 @!p1 $0x1082;
	[sflag:s4] =	ssyncset.s32 $0xFFFFF086  }
0x25: {  	[simem:s6], [sflag:s4] =	dma.local [hbm:s3], $0xF7A  }
0x26: {  	[smem:$0x3F9B] =	sst s1;
	(tag) =	ssettag s2;
	_ =	strace s9  }
0x27: {  	s1 =	sld [smem:$0x3FAB]  }
0x28: {  	s2 =	sld [smem:$0x3FAC]  }
0x29: {  	s4 =	sld [smem:$0x3FAE]  }
0x2a: {  	p0 =	seq.s32 s5, $0x0;
	s5 =	sld [smem:$0x3FAF]  }
0x2b: {  	s6 =	sld [smem:$0x3FB0]  }
0x2c: {  	s7 =	sld [smem:$0x3FB1]  }
0x2d: {  	s3 =	simm.s32 $0x108;
	s8 =	sld [smem:$0x3FB2]  }
0x2e: {  	s3 =	simm.s32 @!p0 $0x1082;
	s9 =	sld [smem:$0x3FB3]  }
0x2f: {  	lr =	sadd.s32 s0, s3;
	s0 =	sld [smem:$0x3FAA]  }
0x30: {  	s3 =	sld [smem:$0x3FAD]  }
0x31: {  	[smem:$0x3FB6] =	sst s10  }
0x32: {  	s10 =	sld [smem:$0x3FB4];
	_ =	sdelay $0x3  }
0x33: {  	p0 =	seq.s32 s10, $0x1;
	s10 =	sld [smem:$0x3FB6];
	_ =	sdelay $0x3  }
0x34: {  	[smem:$0x3FB6] =	sst s10  }
0x35: {  	s10 =	sld [smem:$0x3FB5];
	_ =	sdelay $0x3  }
0x36: {  	p1 =	seq.s32 s10, $0x1;
	s10 =	sld [smem:$0x3FB6];
	_ =	sdelay $0x3  }
0x37: {  	[smem:$0x3FB6] =	sst s10  }
0x38: {  	s10 =	sld [smem:$0x3FB7]  }
0x39: {  	_ = 	snop;
	(pc) =	sbr.ind lr, $3  }
0x3a: {  	_ = 	snop  }
0x3b: {  	_ = 	snop  }
0x3c: {  	p2 =	seq.s32 s10, $0x1;
	s10 =	sld [smem:$0x3FB6]  }
0x3d: {  	_ =	shalt  }
0x3e: {  	_ =	shalt  }
0x3f: {  	_ =	shalt  }
0x40: {  	_ =	shalt  }
0x41: {  	_ =	shalt  }
0x42: {  	_ =	shalt  }
0x43: {  	_ =	shalt  }
0x44: {  	_ =	shalt  }
0x45: {  	_ =	shalt  }
0x46: {  	_ =	shalt  }
0x47: {  	_ =	shalt  }
0x48: {  	_ =	shalt  }
0x49: {  	_ =	shalt  }
0x4a: {  	_ =	shalt  }
0x4b: {  	_ =	shalt  }
0x4c: {  	_ =	shalt  }
0x4d: {  	_ =	shalt  }
0x4e: {  	_ =	shalt  }
0x4f: {  	_ =	shalt  }
0x50: {  	_ =	shalt  }
0x51: {  	_ =	shalt  }
0x52: {  	_ =	shalt  }
0x53: {  	_ =	shalt  }
0x54: {  	_ =	shalt  }
0x55: {  	_ =	shalt  }
0x56: {  	_ =	shalt  }
0x57: {  	_ =	shalt  }
0x58: {  	_ =	shalt  }
0x59: {  	_ =	shalt  }
0x5a: {  	_ =	shalt  }
0x5b: {  	_ =	shalt  }
0x5c: {  	_ =	shalt  }
0x5d: {  	_ =	shalt  }
0x5e: {  	_ =	shalt  }
0x5f: {  	_ =	shalt  }
0x60: {  	_ =	shalt  }
0x61: {  	_ =	shalt  }
0x62: {  	_ =	shalt  }
0x63: {  	_ =	shalt  }
0x64: {  	_ =	shalt  }
0x65: {  	_ =	shalt  }
0x66: {  	_ =	shalt  }
0x67: {  	_ =	shalt  }
0x68: {  	_ =	shalt  }
0x69: {  	_ =	shalt  }
0x6a: {  	_ =	shalt  }
0x6b: {  	_ =	shalt  }
0x6c: {  	_ =	shalt  }
0x6d: {  	_ =	shalt  }
0x6e: {  	_ =	shalt  }
0x6f: {  	_ =	shalt  }
0x70: {  	_ =	shalt  }
0x71: {  	_ =	shalt  }
0x72: {  	_ =	shalt  }
0x73: {  	_ =	shalt  }
0x74: {  	_ =	shalt  }
0x75: {  	_ =	shalt  }
0x76: {  	_ =	shalt  }
0x77: {  	_ =	shalt  }
0x78: {  	_ =	shalt  }
0x79: {  	_ =	shalt  }
0x7a: {  	_ =	shalt  }
0x7b: {  	_ =	shalt  }
0x7c: {  	_ =	shalt  }
0x7d: {  	_ =	shalt  }
0x7e: {  	_ =	shalt  }
0x7f: {  	_ =	shalt  }
0x80: {  	_ =	shalt  }
0x81: {  	_ =	shalt  }
0x82: {  	_ =	shalt  }
0x83: {  	_ =	shalt  }
0x84: {  	_ =	shalt  }
0x85: {  	_ =	shalt  }
0x86: {  	_ =	shalt  }
0x87: {  	_ =	shalt  }
.Lfunc_end0:
.L_simem_size_0:
called_computation.1_lowered:
.L_overlay_start_0:
0x88: {  	s2 =	sld [smem:$0x3FD9]  }
0x89: {  	s3 =	sld [smem:$0x3FFE];
	_ =	sdelay $0x1  }
0x8a: {  	s1 =	srdreg.scid  }
0x8b: {  	s0 =	sand.u32 $0x1, s1  }
0x8c: {  	s17 =	sshll.u32 s0, $0xA;
	s2 =	sadd.s32 s3, s2  }
0x8d: {  	s2 =	sadd.s32 s2, s17  }
0x8e: {  	[smem:$0x3FC2] =	sst s2  }
0x8f: {  	_ = 	snop  }
0x90: {  	s2 =	sld [smem:$0x3FD0];
	(tm) =	ssettm $0x1  }
0x91: {  	s18 =	sld [smem:$0x3FFB];
	_ =	sdelay $0x3  }
0x92: {  	_ =	strace s18  }
0x93: {  	s3 =	sld [smem:$0x3FFC];
	_ =	sdelay $0x3  }
0x94: {  	_ =	strace s3  }
0x95: {  	s3 =	sld [smem:$0x3FFD];
	_ =	sdelay $0x3  }
0x96: {  	_ =	strace s3  }
0x97: {  	_ =	strace $0x8FFFFFFF  }
0x98: {  	s19 =	sld [smem:$0x3FDB];
	_ =	sdelay $0x1  }
0x99: {  	s4 =	simm.s32 $_scs_section_size  }
0x9a: {  	s5 =	simm.s32 $_size__tile_overlayer_lowered;
	s6 =	simm.s32 $_tile_overlayer_lowered  }
0x9b: {  	s22 =	simm.s32 $0x1BFF;
	s21 =	sshll.u32 s6, $0x1;
	s3 =	sadd.s32 s4, s19  }
0x9c: {  	s7 =	simm.s32 $0x0;
	s20 =	sshll.u32 s5, $0x1;
	s5 =	sadd.s32 s21, s3  }
0x9d: {  	[timem:s7], [sflag:s22] =	dma.local [hbm:s5], s20  }
0x9e: {  	_ =	swait.ge [sflag:s22], s20  }
0x9f: {  	s4 =	ssub.s32 $0x0, s20;
	[sflag:s22] =	ssyncset.done $0x0  }
0xa0: {  	[sflag:s22] =	ssyncadd.s32 s4;
	_ =	sdelay $0x1  }
0xa1: {  	s23 =	simm.s32 $0x1B8B  }
0xa2: {  	_ =	swait.ge [sflag:s23], $0x1  }
0xa3: {  	[sflag:s23] =	ssyncset.done $0x0  }
0xa4: {  	s25 =	simm.s32 $0x1B8E;
	s24 =	sld [smem:$0x3FFE];
	[sflag:s23] =	ssyncadd.s32 $0xFFFFFFFF  }
0xa5: {  	s26 =	simm.s32 $execute0_lowered;
	[smem:$0x3FD2] =	sst s25  }
0xa6: {  	s5 =	sshll.u32 s26, $0x1;
	_ =	strace $0x80000049;
	[dreg:$0x1] =	wrdreg $0xFFFFFFFF  }
0xa7: {  	s28 =	simm.s32 $_size_execute0_lowered;
	s3 =	sadd.s32 s3, s5;
	[dreg:$0x0] =	wrdreg $0x0  }
0xa8: {  	s5 =	sshll.u32 s28, $0x1;
	[dreg:$0x2] =	wrdreg s3  }
0xa9: {  	[dreg:$0x3] =	wrdreg s5  }
0xaa: {  	[dreg:$0x4] =	wrdreg $0xC0  }
0xab: {  	_ =	task [dreg:s7], $0x5FFFF  }
0xac: {  	[dreg:$0x1] =	wrdreg $0xFFFFFFFF  }
0xad: {  	[dreg:$0x0] =	wrdreg $0x60  }
0xae: {  	[dreg:$0x2] =	wrdreg s24  }
0xaf: {  	[dreg:$0x3] =	wrdreg s2  }
0xb0: {  	[dreg:$0x4] =	wrdreg $0x84C00  }
0xb1: {  	[dreg:$0x5] =	wrdreg $0x9  }
0xb2: {  	_ =	task.clear_ibuf [dreg:s7], $0x6FFFF;
	_ =	strace $0x90000049  }
0xb3: {  	s29 =	simm.s32 $0x9;
	_ =	strace $0x8000004B  }
0xb4: {  	_ =	swait.ge [sflag:s29], $0x1  }
0xb5: {  	[sflag:s29] =	ssyncadd.s32 $0xFFFFFFFF  }
0xb6: {  	_ =	strace $0x9000004B  }
0xb7: {  	_ =	sfence  }
0xb8: {  	s30 =	sld [smem:$0x0];
	_ =	sdelay $0x2  }
0xb9: {  	s31 =	sshll.u32 s1, $0xD;
	s1 =	sshrl.u32 s1, $0x2  }
0xba: {  	s3 =	sand.u32 $0x4000, s31;
	s1 =	sadd.s32 s1, s30  }
0xbb: {  	s0 =	sor.u32 s3, s0;
	s1 =	sshll.u32 s1, $0x11  }
0xbc: {  	s0 =	sor.u32 s1, s0  }
0xbd: {  	s0 =	sadd.s32 $0x8F2B, s0  }
0xbe: {  	[sflag:s0] =	ssyncadd.remote.s32 $0x1  }
0xbf: {  	_ =	sfence.sel $0xFFFF  }
0xc0: {  	[dreg:$0x0] =	wrdreg $0xFFFFFFFF;
	(pc) =	sbr.abs _section_cstart, $3  }
0xc1: {  	[dreg:$0x1] =	wrdreg $0xFFFFFFFF  }
0xc2: {  	_ =	task.clear_ibuf [dreg:s7], $0x2FFFF;
	_ =	strace $0x9FFFFFFF  }
0xc3: {  	(tm) =	ssettm $0x7FFFFFFF  }
tec
execute0_lowered:
.L_overlay_start_1:
0x0: {  	(tag) =	ssettag $0x1  }
0x1: {  	s4 =	rddreg [dreg:$0x0]  }
0x2: {  	s8 =	rddreg [dreg:$0x1]  }
0x3: {  	s0 =	srdreg.scid;
	s2 =	rddreg [dreg:$0x2]  }
0x4: {  	s1 =	stileid.u32;
	s3 =	simm.s32 $0x0;
	s12 =	simm.s32 $0x70  }
0x5: {  	s13 =	simm.s32 $0x4EC0;
	s14 =	simm.s32 $0x55C0;
	s15 =	simm.s32 $0x1  }
0x6: {  	s16 =	simm.s32 $0x2;
	s17 =	simm.s32 $0x26F0;
	s18 =	simm.s32 $0x4DE0  }
0x7: {  	s5 =	sand.u32 $0x1, s0;
	s0 =	rddreg [dreg:$0x3];
	s7 =	smul.u32 $0x2760, s1  }
0x8: {  	s19 =	simm.s32 $0x4E50;
	[smem:$0x7FF] =	sst s3;
	s9 =	smul.u32 $0x2800, s1  }
0x9: {  	s6 =	smul.u32 $0x27600, s5;
	_ =	strace $0x8000004A;
	s31 =	ssub.s32 $0x2, s5  }
0xa: {  	s11 =	smul.u32 $0x5000, s5;
	s10 =	sshrl.u32 s31, $0x1;
	s21 =	sshrl.u32 s9, $0x3  }
0xb: {  	s6 =	sadd.s32 s7, s6;
	s10 =	ssub.s32 s31, s10;
	s7 =	sadd.s32 s9, s2  }
0xc: {  	s20 =	sadd.s32 s8, s11;
	s9 =	simm.s32 $0x3;
	s11 =	simm.s32 $0x5CC0  }
0xd: {  	s6 =	sshrl.u32 s6, $0x3;
	s8 =	smax.u32 s10, $0x1;
	s10 =	simm.s32 $0x2760  }
0xe: {  	s20 =	sadd.s32 s21, s20;
	s21 =	simm.s32 $0x0;
	s6 =	sadd.s32 s6, s4  }
0xf: {  	v0 =	vimm.f32 $0.0e+00;
	s4 =	sadd.s32 $0x15800, s4;
	s5 =	sadd.s32 $0x1C00, s6;
	s6 =	sadd.s32 $0xB980, s6  }
.LBB2_1:
0x10: {  	[tilespmem:s3], [sflag:$0x3] =	stream.linear.gather [hbm4b:s5+s3], $0x2760, $0x38;
	[tilespmem:$0xACC0] =	vst v63  }
0x11: {  	_ =	swait.ge [sflag:s9], $0x2760  }
0x12: {  	[sflag:s9] =	ssyncset.done $0x0  }
0x13: {  	[sflag:s9] =	ssyncadd.s32 $0xFFFFD8A0  }
0x14: {  	[tilespmem:s10], [sflag:$0x3] =	stream.linear.gather [hbm4b:s6+s3], $0x2760, $0x38;
	[tilespmem:$0xACC0] =	vst v63  }
0x15: {  	_ =	swait.ge [sflag:s9], $0x2760  }
0x16: {  	[sflag:s9] =	ssyncset.done $0x0  }
0x17: {  	s22 =	simm.s32 $0x40;
	s23 =	simm.s32 $0x0;
	[sflag:s9] =	ssyncadd.s32 $0xFFFFD8A0  }
.LBB2_2:
0x18: {  	p0 =	sne.s32 s22, $0x9FC0;
	[tilespmem:s23+$0x5CC0] =	vst v0;
	s23 =	smov.u32 s22;
	s22 =	sadd.s32 $0x40, s22  }
.Ltmp0:
0x19: {  	(pc) =	sbr.rel @p0 .LBB2_2-.Ltmp0, $2  }
0x1a: {  	_ =	sdelay $0x2  }
0x1b: {  	s23 =	sshra.s32 s23, $0x2  }
0x1c: {  	[tilespmem:s23+$0x5CC0] =	vst v0  }
0x1d: {  	[spmem:s7] =	stream.linear.scatter [tilespmem:s11], [sflag:$0x3], $0x2800, $0x38;
	[tilespmem:$0xACC0] =	vst v63  }
0x1e: {  	_ =	swait.ge [sflag:s9], $0x2800  }
0x1f: {  	[sflag:s9] =	ssyncset.done $0x0  }
0x20: {  	[sflag:s9] =	ssyncadd.s32 $0xFFFFD800  }
0x21: {  	s22 =	simm.s32 $0x0;
	[bflag:$0x0] =	sbarrier.arrive $0xFFFF  }
0x22: {  	[tilespmem:s13], [sflag:$0x1] =	stream.indirect.gather [hbm4b:s4+s12], $0x10, s22, s12, $0xb8;
	[tilespmem:$0xACC0] =	vst v63  }
0x23: {  	s28 =	simm.s32 $0x70  }
0x24: {  	[tilespmem:s14], [sflag:$0x2] =	stream.indirect.gather [hbm4b:s4+s12], $0x10, s28, s12, $0xb8;
	[tilespmem:$0xACC0] =	vst v63  }
0x25: {  	_ =	swait.ge [sflag:s15], $0x700  }
0x26: {  	[sflag:s15] =	ssyncset.done $0x0  }
0x27: {  	s29 =	simm.s32 $0x2760;
	[sflag:s15] =	ssyncadd.s32 $0xFFFFF900  }
0x28: {  	[spmem:s2] =	stream.indirect.scatter.add.f32 [tilespmem:s13], [sflag:$0x3], $0x10, s29, s12, $0xb8;
	[tilespmem:$0xACC0] =	vst v63  }
0x29: {  	_ =	swait.ge [sflag:s9], $0x700  }
0x2a: {  	[sflag:s9] =	ssyncset.done $0x0  }
0x2b: {  	s30 =	simm.s32 $0xE0;
	[sflag:s9] =	ssyncadd.s32 $0xFFFFF900  }
0x2c: {  	[tilespmem:s13], [sflag:$0x1] =	stream.indirect.gather [hbm4b:s4+s12], $0x10, s30, s12, $0xb8;
	[tilespmem:$0xACC0] =	vst v63  }
0x2d: {  	_ =	swait.ge [sflag:s16], $0x700  }
0x2e: {  	[sflag:s16] =	ssyncset.done $0x0  }
0x2f: {  	s31 =	simm.s32 $0x27D0;
	[sflag:s16] =	ssyncadd.s32 $0xFFFFF900  }
0x30: {  	[spmem:s2] =	stream.indirect.scatter.add.f32 [tilespmem:s14], [sflag:$0x3], $0x10, s31, s12, $0xb8;
	[tilespmem:$0xACC0] =	vst v63  }
0x31: {  	_ =	swait.ge [sflag:s9], $0x700  }
0x32: {  	s23 =	simm.s32 $0x700;
	s22 =	simm.s32 $0xE0;
	[sflag:s9] =	ssyncset.done $0x0  }
.LBB2_4:
0x33: {  	s24 =	sadd.s32 $0x70, s22  }
0x34: {  	[sflag:s9] =	ssyncadd.s32 $0xFFFFF900;
	s25 =	smov.u32 s23;
	s26 =	sadd.s32 $0x380, s23  }
0x35: {  	[tilespmem:s14], [sflag:$0x2] =	stream.indirect.gather [hbm4b:s4+s12], $0x10, s24, s12, $0xb8;
	[tilespmem:$0xACC0] =	vst v63  }
0x36: {  	p0 =	sne.s32 s23, $0x9680;
	_ =	swait.ge [sflag:s15], $0x700  }
0x37: {  	[sflag:s15] =	ssyncset.done $0x0  }
0x38: {  	s23 =	sadd.s32 $0x2760, s22;
	[sflag:s15] =	ssyncadd.s32 $0xFFFFF900  }
0x39: {  	[spmem:s2] =	stream.indirect.scatter.add.f32 [tilespmem:s13], [sflag:$0x3], $0x10, s23, s12, $0xb8;
	[tilespmem:$0xACC0] =	vst v63  }
0x3a: {  	_ =	swait.ge [sflag:s9], $0x700  }
0x3b: {  	[sflag:s9] =	ssyncset.done $0x0  }
0x3c: {  	s23 =	sadd.s32 $0xE0, s22;
	[sflag:s9] =	ssyncadd.s32 $0xFFFFF900  }
0x3d: {  	[tilespmem:s13], [sflag:$0x1] =	stream.indirect.gather [hbm4b:s4+s12], $0x10, s23, s12, $0xb8;
	[tilespmem:$0xACC0] =	vst v63  }
0x3e: {  	_ =	swait.ge [sflag:s16], $0x700  }
.Ltmp1:
0x3f: {  	[sflag:s16] =	ssyncset.done $0x0;
	(pc) =	sbr.rel @p0 .LBB2_4-.Ltmp1, $4  }
0x40: {  	s22 =	sadd.s32 $0x27D0, s22;
	[sflag:s16] =	ssyncadd.s32 $0xFFFFF900  }
0x41: {  	[spmem:s2] =	stream.indirect.scatter.add.f32 [tilespmem:s14], [sflag:$0x3], $0x10, s22, s12, $0xb8;
	[tilespmem:$0xACC0] =	vst v63  }
0x42: {  	_ =	swait.ge [sflag:s9], $0x700  }
0x43: {  	s23 =	smov.u32 s26;
	s22 =	sshra.s32 s25, $0x2;
	[sflag:s9] =	ssyncset.done $0x0  }
0x44: {  	s23 =	sadd.s32 $0x70, s22;
	[sflag:s9] =	ssyncadd.s32 $0xFFFFF900  }
0x45: {  	[tilespmem:s14], [sflag:$0x2] =	stream.indirect.gather [hbm4b:s4+s12], $0x10, s23, s12, $0xb8;
	[tilespmem:$0xACC0] =	vst v63  }
0x46: {  	_ =	swait.ge [sflag:s15], $0x700  }
0x47: {  	[sflag:s15] =	ssyncset.done $0x0  }
0x48: {  	s29 =	sadd.s32 $0x2760, s22;
	[sflag:s15] =	ssyncadd.s32 $0xFFFFF900  }
0x49: {  	[spmem:s2] =	stream.indirect.scatter.add.f32 [tilespmem:s13], [sflag:$0x3], $0x10, s29, s12, $0xb8;
	[tilespmem:$0xACC0] =	vst v63  }
0x4a: {  	_ =	swait.ge [sflag:s9], $0x700  }
0x4b: {  	[sflag:s9] =	ssyncset.done $0x0  }
0x4c: {  	s30 =	sadd.s32 $0xE0, s22;
	[sflag:s9] =	ssyncadd.s32 $0xFFFFF900  }
0x4d: {  	[tilespmem:s13], [sflag:$0x1] =	stream.indirect.gather [hbm4b:s4+s12], $0x10, s30, s12, $0xb8;
	[tilespmem:$0xACC0] =	vst v63  }
0x4e: {  	_ =	swait.ge [sflag:s16], $0x700  }
0x4f: {  	[sflag:s16] =	ssyncset.done $0x0  }
0x50: {  	s31 =	sadd.s32 $0x27D0, s22;
	[sflag:s16] =	ssyncadd.s32 $0xFFFFF900  }
0x51: {  	[spmem:s2] =	stream.indirect.scatter.add.f32 [tilespmem:s14], [sflag:$0x3], $0x10, s31, s12, $0xb8;
	[tilespmem:$0xACC0] =	vst v63  }
0x52: {  	_ =	swait.ge [sflag:s9], $0x700  }
0x53: {  	[sflag:s9] =	ssyncset.done $0x0  }
0x54: {  	[sflag:s9] =	ssyncadd.s32 $0xFFFFF900  }
0x55: {  	[tilespmem:s14], [sflag:$0x2] =	stream.indirect.gather [hbm4b:s4+s12], $0x10, s17, s12, $0xb8;
	[tilespmem:$0xACC0] =	vst v63  }
0x56: {  	_ =	swait.ge [sflag:s15], $0x700  }
0x57: {  	[sflag:s15] =	ssyncset.done $0x0  }
0x58: {  	[sflag:s15] =	ssyncadd.s32 $0xFFFFF900  }
0x59: {  	[spmem:s2] =	stream.indirect.scatter.add.f32 [tilespmem:s13], [sflag:$0x3], $0x10, s18, s12, $0xb8;
	[tilespmem:$0xACC0] =	vst v63  }
0x5a: {  	_ =	swait.ge [sflag:s9], $0x700  }
0x5b: {  	[sflag:s9] =	ssyncset.done $0x0  }
0x5c: {  	[sflag:s9] =	ssyncadd.s32 $0xFFFFF900  }
0x5d: {  	_ =	swait.ge [sflag:s16], $0x700  }
0x5e: {  	[sflag:s16] =	ssyncset.done $0x0  }
0x5f: {  	[sflag:s16] =	ssyncadd.s32 $0xFFFFF900  }
0x60: {  	[spmem:s2] =	stream.indirect.scatter.add.f32 [tilespmem:s14], [sflag:$0x3], $0x10, s19, s12, $0xb8;
	[tilespmem:$0xACC0] =	vst v63  }
0x61: {  	_ =	swait.ge [sflag:s9], $0x700  }
0x62: {  	[sflag:s9] =	ssyncset.done $0x0  }
0x63: {  	[sflag:s9] =	ssyncadd.s32 $0xFFFFF900  }
0x64: {  	[bflag:$0x0] =	sbarrier.arrive $0xFFFF  }
0x65: {  	[tilespmem:s11], [sflag:$0x3] =	stream.linear.gather [spmem:s7], $0x2800, $0x38;
	[tilespmem:$0xACC0] =	vst v63  }
0x66: {  	s21 =	sadd.s32 $0x1, s21;
	_ =	swait.ge [sflag:s9], $0x2800  }
0x67: {  	p0 =	sne.s32 s21, s8;
	[sflag:s9] =	ssyncset.done $0x0  }
.Ltmp2:
0x68: {  	[sflag:s9] =	ssyncadd.s32 $0xFFFFD800;
	(pc) =	sbr.rel @p0 .LBB2_1-.Ltmp2, $4  }
0x69: {  	[hbm4b:s20+s3] =	stream.linear.scatter [tilespmem:s11], [sflag:$0x3], $0x2800, $0x38;
	[tilespmem:$0xACC0] =	vst v63  }
0x6a: {  	_ =	swait.ge [sflag:s9], $0x2800  }
0x6b: {  	[sflag:s9] =	ssyncset.done $0x0  }
0x6c: {  	[sflag:s9] =	ssyncadd.s32 $0xFFFFD800  }
0x6d: {  	_ =	sfence.sel $0x180000  }
0x6e: {  	[bflag:$0x0] =	sbarrier.arrive $0xFFFF  }
0x6f: {  	p0 =	sne.s32 s1, $0x0;
	_ =	strace $0x9000004A  }
0x70: {  	s0 =	sadd.s32 @!p0 $0x100000, s0;
	[bflag:$0x2] =	sbarrier.arrive $0xFFFF  }
0x71: {  	[sflag:s0] =	ssyncadd.tile.s32 @!p0 $0x1;
	_ =	shalt  }
.Lfunc_end2:
_tile_overlayer_lowered:
.L_overlay_start_2:
0x72: {  	(tag) =	ssettag $0x2  }
0x73: {  	s0 =	rddreg [dreg:$0x0];
	s2 =	stileid.u32  }
0x74: {  	s1 =	rddreg [dreg:$0x1];
	p0 =	sne.s32 s2, $0x0  }
0x75: {  	s3 =	rddreg [dreg:$0x2];
	[bflag:$0x3] =	sbarrier.arrive $0xFFFF;
	s2 =	simm.s32 @!p0 $0x1C03  }
0x76: {  	[timem:s3], [sflag:s2] =	dma.local @!p0 [hbm:s0], s1  }
0x77: {  	s0 =	simm.s32 @!p0 $0x3  }
0x78: {  	_ =	swait.ge @!p0 [sflag:s0], s1  }
0x79: {  	s1 =	ssub.s32 @!p0 $0x0, s1;
	[sflag:s0] =	ssyncset.done @!p0 $0x0  }
0x7a: {  	[sflag:s0] =	ssyncadd.s32 @!p0 s1  }
0x7b: {  	[bflag:$0x3] =	sbarrier.arrive $0xFFFF  }
0x7c: {  	_ =	shalt  }

// kernel: kernel.14.cloned.1.call-start
scs
__scs_entry_jumppad:
0x0: {  	(pc) =	sbr.rel $0x88, $3  }
0x1: {  	(tag) =	ssettag $0x0;
	lr =	simm.s32 $0x1  }
0x2: {  	[smem:$0x3F9B] =	sst lr;
	_ =	strace $0xD0000000  }
0x3: {  	_ = 	snop  }
0x4: {  	_ = 	snop  }
0x5: {  	_ = 	snop  }
0x6: {  	_ = 	snop  }
0x7: {  	_ = 	snop  }
__scs_overlays_trampoline_lowered:
0x8: {  	[smem:$0x3FAA] =	sst s0  }
0x9: {  	[smem:$0x3FAB] =	sst s1  }
0xa: {  	[smem:$0x3FAC] =	sst s2  }
0xb: {  	[smem:$0x3FAD] =	sst s3  }
0xc: {  	[smem:$0x3FAE] =	sst s4  }
0xd: {  	[smem:$0x3FAF] =	sst s5  }
0xe: {  	[smem:$0x3FB0] =	sst s6  }
0xf: {  	[smem:$0x3FB1] =	sst s7  }
0x10: {  	[smem:$0x3FB2] =	sst s8  }
0x11: {  	[smem:$0x3FB3] =	sst s9;
	s0 =	simm.s32 @!p0 $0x0  }
0x12: {  	s1 =	sld [smem:$0x3F99];
	s0 =	simm.s32 @p0 $0x1  }
0x13: {  	[smem:$0x3FB4] =	sst s0;
	s0 =	simm.s32 @!p1 $0x0  }
0x14: {  	s2 =	sld [smem:$0x3F98];
	s0 =	simm.s32 @p1 $0x1  }
0x15: {  	[smem:$0x3FB5] =	sst s0;
	s0 =	simm.s32 @!p2 $0x0  }
0x16: {  	s3 =	sld [smem:$0x3FDB];
	s0 =	simm.s32 @p2 $0x1  }
0x17: {  	s4 =	simm.s32 $0x1BF5;
	[smem:$0x3FB7] =	sst s0  }
0x18: {  	s0 =	sld [smem:$0x3F9A];
	_ =	swait.ge [sflag:s4], $0x0  }
0x19: {  	s7 =	sld [smem:$0x3F9B]  }
0x1a: {  	s8 =	sadd.s32 $0xFFFFE003, lr  }
0x1b: {  	s9 =	sadd.s32 $0xFFFFFEF7, lr;
	s5 =	simm.s32 $0xFFFFFFFF;
	p2 =	slt.u32 s8, $0xFFFFF086  }
0x1c: {  	p1 =	slt.u32 s9, $0xF7A;
	s5 =	simm.s32 @!p2 $0x0  }
0x1d: {  	s5 =	simm.s32 @p1 $0x1;
	p0 =	seq.s32 s7, s2  }
0x1e: {  	s7 =	smul.u32 @!p0 $0xF7A, s2;
	p2 =	seq.s32 @!p0 s5, $0x0  }
0x1f: {  	s9 =	smul.u32 $0xF7A, s1;
	s8 =	simm.s32 @!p0 $0x1BF5;
	p2 =	por !p2, p0  }
0x20: {  	[sflag:s8] =	ssyncset.s32 @!p0 $0xFFFFF086;
	s6 =	sadd.s32 @!p0 s3, s7;
	s7 =	simm.s32 @!p0 $0x108  }
0x21: {  	s3 =	sadd.s32 s3, s9;
	s6 =	sadd.s32 @!p0 $0x88, s6;
	s7 =	simm.s32 @p2 $0x1082  }
0x22: {  	[simem:s7], [sflag:s8] =	dma.local @!p0 [hbm:s6], $0xF7A  }
0x23: {  	s9 =	sor.u32 $0xD0000000, s2;
	s6 =	simm.s32 $0x108;
	_ =	swait.ge @!p0 [sflag:s8], $0x0  }
0x24: {  	s3 =	sadd.s32 $0x88, s3;
	s6 =	simm.s32 @!p1 $0x1082;
	[sflag:s4] =	ssyncset.s32 $0xFFFFF086  }
0x25: {  	[simem:s6], [sflag:s4] =	dma.local [hbm:s3], $0xF7A  }
0x26: {  	[smem:$0x3F9B] =	sst s1;
	(tag) =	ssettag s2;
	_ =	strace s9  }
0x27: {  	s1 =	sld [smem:$0x3FAB]  }
0x28: {  	s2 =	sld [smem:$0x3FAC]  }
0x29: {  	s4 =	sld [smem:$0x3FAE]  }
0x2a: {  	p0 =	seq.s32 s5, $0x0;
	s5 =	sld [smem:$0x3FAF]  }
0x2b: {  	s6 =	sld [smem:$0x3FB0]  }
0x2c: {  	s7 =	sld [smem:$0x3FB1]  }
0x2d: {  	s3 =	simm.s32 $0x108;
	s8 =	sld [smem:$0x3FB2]  }
0x2e: {  	s3 =	simm.s32 @!p0 $0x1082;
	s9 =	sld [smem:$0x3FB3]  }
0x2f: {  	lr =	sadd.s32 s0, s3;
	s0 =	sld [smem:$0x3FAA]  }
0x30: {  	s3 =	sld [smem:$0x3FAD]  }
0x31: {  	[smem:$0x3FB6] =	sst s10  }
0x32: {  	s10 =	sld [smem:$0x3FB4];
	_ =	sdelay $0x3  }
0x33: {  	p0 =	seq.s32 s10, $0x1;
	s10 =	sld [smem:$0x3FB6];
	_ =	sdelay $0x3  }
0x34: {  	[smem:$0x3FB6] =	sst s10  }
0x35: {  	s10 =	sld [smem:$0x3FB5];
	_ =	sdelay $0x3  }
0x36: {  	p1 =	seq.s32 s10, $0x1;
	s10 =	sld [smem:$0x3FB6];
	_ =	sdelay $0x3  }
0x37: {  	[smem:$0x3FB6] =	sst s10  }
0x38: {  	s10 =	sld [smem:$0x3FB7]  }
0x39: {  	_ = 	snop;
	(pc) =	sbr.ind lr, $3  }
0x3a: {  	_ = 	snop  }
0x3b: {  	_ = 	snop  }
0x3c: {  	p2 =	seq.s32 s10, $0x1;
	s10 =	sld [smem:$0x3FB6]  }
0x3d: {  	_ =	shalt  }
0x3e: {  	_ =	shalt  }
0x3f: {  	_ =	shalt  }
0x40: {  	_ =	shalt  }
0x41: {  	_ =	shalt  }
0x42: {  	_ =	shalt  }
0x43: {  	_ =	shalt  }
0x44: {  	_ =	shalt  }
0x45: {  	_ =	shalt  }
0x46: {  	_ =	shalt  }
0x47: {  	_ =	shalt  }
0x48: {  	_ =	shalt  }
0x49: {  	_ =	shalt  }
0x4a: {  	_ =	shalt  }
0x4b: {  	_ =	shalt  }
0x4c: {  	_ =	shalt  }
0x4d: {  	_ =	shalt  }
0x4e: {  	_ =	shalt  }
0x4f: {  	_ =	shalt  }
0x50: {  	_ =	shalt  }
0x51: {  	_ =	shalt  }
0x52: {  	_ =	shalt  }
0x53: {  	_ =	shalt  }
0x54: {  	_ =	shalt  }
0x55: {  	_ =	shalt  }
0x56: {  	_ =	shalt  }
0x57: {  	_ =	shalt  }
0x58: {  	_ =	shalt  }
0x59: {  	_ =	shalt  }
0x5a: {  	_ =	shalt  }
0x5b: {  	_ =	shalt  }
0x5c: {  	_ =	shalt  }
0x5d: {  	_ =	shalt  }
0x5e: {  	_ =	shalt  }
0x5f: {  	_ =	shalt  }
0x60: {  	_ =	shalt  }
0x61: {  	_ =	shalt  }
0x62: {  	_ =	shalt  }
0x63: {  	_ =	shalt  }
0x64: {  	_ =	shalt  }
0x65: {  	_ =	shalt  }
0x66: {  	_ =	shalt  }
0x67: {  	_ =	shalt  }
0x68: {  	_ =	shalt  }
0x69: {  	_ =	shalt  }
0x6a: {  	_ =	shalt  }
0x6b: {  	_ =	shalt  }
0x6c: {  	_ =	shalt  }
0x6d: {  	_ =	shalt  }
0x6e: {  	_ =	shalt  }
0x6f: {  	_ =	shalt  }
0x70: {  	_ =	shalt  }
0x71: {  	_ =	shalt  }
0x72: {  	_ =	shalt  }
0x73: {  	_ =	shalt  }
0x74: {  	_ =	shalt  }
0x75: {  	_ =	shalt  }
0x76: {  	_ =	shalt  }
0x77: {  	_ =	shalt  }
0x78: {  	_ =	shalt  }
0x79: {  	_ =	shalt  }
0x7a: {  	_ =	shalt  }
0x7b: {  	_ =	shalt  }
0x7c: {  	_ =	shalt  }
0x7d: {  	_ =	shalt  }
0x7e: {  	_ =	shalt  }
0x7f: {  	_ =	shalt  }
0x80: {  	_ =	shalt  }
0x81: {  	_ =	shalt  }
0x82: {  	_ =	shalt  }
0x83: {  	_ =	shalt  }
0x84: {  	_ =	shalt  }
0x85: {  	_ =	shalt  }
0x86: {  	_ =	shalt  }
0x87: {  	_ =	shalt  }
.Lfunc_end0:
.L_simem_size_0:
called_computation.2_lowered:
.L_overlay_start_0:
0x88: {  	s2 =	sld [smem:$0x3FD9]  }
0x89: {  	s3 =	sld [smem:$0x3FFE];
	_ =	sdelay $0x1  }
0x8a: {  	s1 =	srdreg.scid  }
0x8b: {  	s0 =	sand.u32 $0x1, s1  }
0x8c: {  	s17 =	sshll.u32 s0, $0xA;
	s2 =	sadd.s32 s3, s2  }
0x8d: {  	s2 =	sadd.s32 s2, s17  }
0x8e: {  	[smem:$0x3FC2] =	sst s2  }
0x8f: {  	_ = 	snop  }
0x90: {  	s2 =	sld [smem:$0x3FD0];
	(tm) =	ssettm $0x1  }
0x91: {  	s18 =	sld [smem:$0x3FFB];
	_ =	sdelay $0x3  }
0x92: {  	_ =	strace s18  }
0x93: {  	s3 =	sld [smem:$0x3FFC];
	_ =	sdelay $0x3  }
0x94: {  	_ =	strace s3  }
0x95: {  	s3 =	sld [smem:$0x3FFD];
	_ =	sdelay $0x3  }
0x96: {  	_ =	strace s3  }
0x97: {  	_ =	strace $0x8FFFFFFF  }
0x98: {  	s19 =	sld [smem:$0x3FDB];
	_ =	sdelay $0x1  }
0x99: {  	s4 =	simm.s32 $_scs_section_size  }
0x9a: {  	s5 =	simm.s32 $_size__tile_overlayer_lowered;
	s6 =	simm.s32 $_tile_overlayer_lowered  }
0x9b: {  	s22 =	simm.s32 $0x1BFF;
	s21 =	sshll.u32 s6, $0x1;
	s3 =	sadd.s32 s4, s19  }
0x9c: {  	s7 =	simm.s32 $0x0;
	s20 =	sshll.u32 s5, $0x1;
	s5 =	sadd.s32 s21, s3  }
0x9d: {  	[timem:s7], [sflag:s22] =	dma.local [hbm:s5], s20  }
0x9e: {  	_ =	swait.ge [sflag:s22], s20  }
0x9f: {  	s4 =	ssub.s32 $0x0, s20;
	[sflag:s22] =	ssyncset.done $0x0  }
0xa0: {  	[sflag:s22] =	ssyncadd.s32 s4;
	_ =	sdelay $0x1  }
0xa1: {  	s23 =	simm.s32 $0x1B8B  }
0xa2: {  	_ =	swait.ge [sflag:s23], $0x1  }
0xa3: {  	[sflag:s23] =	ssyncset.done $0x0  }
0xa4: {  	s25 =	simm.s32 $0x1B8E;
	s24 =	sld [smem:$0x3FFE];
	[sflag:s23] =	ssyncadd.s32 $0xFFFFFFFF  }
0xa5: {  	s26 =	simm.s32 $execute0_lowered;
	[smem:$0x3FD2] =	sst s25  }
0xa6: {  	s5 =	sshll.u32 s26, $0x1;
	_ =	strace $0x8000004C;
	[dreg:$0x1] =	wrdreg $0xFFFFFFFF  }
0xa7: {  	s28 =	simm.s32 $_size_execute0_lowered;
	s3 =	sadd.s32 s3, s5;
	[dreg:$0x0] =	wrdreg $0x0  }
0xa8: {  	s5 =	sshll.u32 s28, $0x1;
	[dreg:$0x2] =	wrdreg s3  }
0xa9: {  	[dreg:$0x3] =	wrdreg s5  }
0xaa: {  	[dreg:$0x4] =	wrdreg $0xC0  }
0xab: {  	_ =	task [dreg:s7], $0x5FFFF  }
0xac: {  	[dreg:$0x1] =	wrdreg $0xFFFFFFFF  }
0xad: {  	[dreg:$0x0] =	wrdreg $0x60  }
0xae: {  	[dreg:$0x2] =	wrdreg s24  }
0xaf: {  	[dreg:$0x3] =	wrdreg s2  }
0xb0: {  	[dreg:$0x4] =	wrdreg $0x84C00  }
0xb1: {  	[dreg:$0x5] =	wrdreg $0x9  }
0xb2: {  	_ =	task.clear_ibuf [dreg:s7], $0x6FFFF;
	_ =	strace $0x9000004C  }
0xb3: {  	s29 =	simm.s32 $0x9;
	_ =	strace $0x8000004E  }
0xb4: {  	_ =	swait.ge [sflag:s29], $0x1  }
0xb5: {  	[sflag:s29] =	ssyncadd.s32 $0xFFFFFFFF  }
0xb6: {  	_ =	strace $0x9000004E  }
0xb7: {  	_ =	sfence  }
0xb8: {  	s30 =	sld [smem:$0x0];
	_ =	sdelay $0x2  }
0xb9: {  	s31 =	sshll.u32 s1, $0xD;
	s1 =	sshrl.u32 s1, $0x2  }
0xba: {  	s3 =	sand.u32 $0x4000, s31;
	s1 =	sadd.s32 s1, s30  }
0xbb: {  	s0 =	sor.u32 s3, s0;
	s1 =	sshll.u32 s1, $0x11  }
0xbc: {  	s0 =	sor.u32 s1, s0  }
0xbd: {  	s0 =	sadd.s32 $0x8F2B, s0  }
0xbe: {  	[sflag:s0] =	ssyncadd.remote.s32 $0x1  }
0xbf: {  	_ =	sfence.sel $0xFFFF  }
0xc0: {  	[dreg:$0x0] =	wrdreg $0xFFFFFFFF;
	(pc) =	sbr.abs _section_cstart, $3  }
0xc1: {  	[dreg:$0x1] =	wrdreg $0xFFFFFFFF  }
0xc2: {  	_ =	task.clear_ibuf [dreg:s7], $0x2FFFF;
	_ =	strace $0x9FFFFFFF  }
0xc3: {  	(tm) =	ssettm $0x7FFFFFFF  }
tec
execute0_lowered:
.L_overlay_start_1:
0x0: {  	(tag) =	ssettag $0x1  }
0x1: {  	s4 =	rddreg [dreg:$0x0]  }
0x2: {  	s8 =	rddreg [dreg:$0x1]  }
0x3: {  	s0 =	srdreg.scid;
	s2 =	rddreg [dreg:$0x2]  }
0x4: {  	s1 =	stileid.u32;
	s3 =	simm.s32 $0x0;
	s12 =	simm.s32 $0x70  }
0x5: {  	s13 =	simm.s32 $0x4EC0;
	s14 =	simm.s32 $0x55C0;
	s15 =	simm.s32 $0x1  }
0x6: {  	s16 =	simm.s32 $0x2;
	s17 =	simm.s32 $0x26F0;
	s18 =	simm.s32 $0x4DE0  }
0x7: {  	s5 =	sand.u32 $0x1, s0;
	s0 =	rddreg [dreg:$0x3];
	s7 =	smul.u32 $0x2760, s1  }
0x8: {  	s19 =	simm.s32 $0x4E50;
	[smem:$0x7FF] =	sst s3;
	s9 =	smul.u32 $0x2800, s1  }
0x9: {  	s6 =	smul.u32 $0x27600, s5;
	_ =	strace $0x8000004D;
	s31 =	ssub.s32 $0x2, s5  }
0xa: {  	s11 =	smul.u32 $0x5000, s5;
	s10 =	sshrl.u32 s31, $0x1;
	s21 =	sshrl.u32 s9, $0x3  }
0xb: {  	s6 =	sadd.s32 s7, s6;
	s10 =	ssub.s32 s31, s10;
	s7 =	sadd.s32 s9, s2  }
0xc: {  	s20 =	sadd.s32 s8, s11;
	s9 =	simm.s32 $0x3;
	s11 =	simm.s32 $0x5CC0  }
0xd: {  	s6 =	sshrl.u32 s6, $0x3;
	s8 =	smax.u32 s10, $0x1;
	s10 =	simm.s32 $0x2760  }
0xe: {  	s20 =	sadd.s32 s21, s20;
	s21 =	simm.s32 $0x0;
	s6 =	sadd.s32 s6, s4  }
0xf: {  	v0 =	vimm.f32 $0.0e+00;
	s4 =	sadd.s32 $0x15800, s4;
	s5 =	sadd.s32 $0x1C00, s6;
	s6 =	sadd.s32 $0xB980, s6  }
.LBB2_1:
0x10: {  	[tilespmem:s3], [sflag:$0x3] =	stream.linear.gather [hbm4b:s5+s3], $0x2760, $0x38;
	[tilespmem:$0xACC0] =	vst v63  }
0x11: {  	_ =	swait.ge [sflag:s9], $0x2760  }
0x12: {  	[sflag:s9] =	ssyncset.done $0x0  }
0x13: {  	[sflag:s9] =	ssyncadd.s32 $0xFFFFD8A0  }
0x14: {  	[tilespmem:s10], [sflag:$0x3] =	stream.linear.gather [hbm4b:s6+s3], $0x2760, $0x38;
	[tilespmem:$0xACC0] =	vst v63  }
0x15: {  	_ =	swait.ge [sflag:s9], $0x2760  }
0x16: {  	[sflag:s9] =	ssyncset.done $0x0  }
0x17: {  	s22 =	simm.s32 $0x40;
	s23 =	simm.s32 $0x0;
	[sflag:s9] =	ssyncadd.s32 $0xFFFFD8A0  }
.LBB2_2:
0x18: {  	p0 =	sne.s32 s22, $0x9FC0;
	[tilespmem:s23+$0x5CC0] =	vst v0;
	s23 =	smov.u32 s22;
	s22 =	sadd.s32 $0x40, s22  }
.Ltmp0:
0x19: {  	(pc) =	sbr.rel @p0 .LBB2_2-.Ltmp0, $2  }
0x1a: {  	_ =	sdelay $0x2  }
0x1b: {  	s23 =	sshra.s32 s23, $0x2  }
0x1c: {  	[tilespmem:s23+$0x5CC0] =	vst v0  }
0x1d: {  	[spmem:s7] =	stream.linear.scatter [tilespmem:s11], [sflag:$0x3], $0x2800, $0x38;
	[tilespmem:$0xACC0] =	vst v63  }
0x1e: {  	_ =	swait.ge [sflag:s9], $0x2800  }
0x1f: {  	[sflag:s9] =	ssyncset.done $0x0  }
0x20: {  	[sflag:s9] =	ssyncadd.s32 $0xFFFFD800  }
0x21: {  	s22 =	simm.s32 $0x0;
	[bflag:$0x0] =	sbarrier.arrive $0xFFFF  }
0x22: {  	[tilespmem:s13], [sflag:$0x1] =	stream.indirect.gather [hbm4b:s4+s12], $0x10, s22, s12, $0xb8;
	[tilespmem:$0xACC0] =	vst v63  }
0x23: {  	s28 =	simm.s32 $0x70  }
0x24: {  	[tilespmem:s14], [sflag:$0x2] =	stream.indirect.gather [hbm4b:s4+s12], $0x10, s28, s12, $0xb8;
	[tilespmem:$0xACC0] =	vst v63  }
0x25: {  	_ =	swait.ge [sflag:s15], $0x700  }
0x26: {  	[sflag:s15] =	ssyncset.done $0x0  }
0x27: {  	s29 =	simm.s32 $0x2760;
	[sflag:s15] =	ssyncadd.s32 $0xFFFFF900  }
0x28: {  	[spmem:s2] =	stream.indirect.scatter.add.f32 [tilespmem:s13], [sflag:$0x3], $0x10, s29, s12, $0xb8;
	[tilespmem:$0xACC0] =	vst v63  }
0x29: {  	_ =	swait.ge [sflag:s9], $0x700  }
0x2a: {  	[sflag:s9] =	ssyncset.done $0x0  }
0x2b: {  	s30 =	simm.s32 $0xE0;
	[sflag:s9] =	ssyncadd.s32 $0xFFFFF900  }
0x2c: {  	[tilespmem:s13], [sflag:$0x1] =	stream.indirect.gather [hbm4b:s4+s12], $0x10, s30, s12, $0xb8;
	[tilespmem:$0xACC0] =	vst v63  }
0x2d: {  	_ =	swait.ge [sflag:s16], $0x700  }
0x2e: {  	[sflag:s16] =	ssyncset.done $0x0  }
0x2f: {  	s31 =	simm.s32 $0x27D0;
	[sflag:s16] =	ssyncadd.s32 $0xFFFFF900  }
0x30: {  	[spmem:s2] =	stream.indirect.scatter.add.f32 [tilespmem:s14], [sflag:$0x3], $0x10, s31, s12, $0xb8;
	[tilespmem:$0xACC0] =	vst v63  }
0x31: {  	_ =	swait.ge [sflag:s9], $0x700  }
0x32: {  	s23 =	simm.s32 $0x700;
	s22 =	simm.s32 $0xE0;
	[sflag:s9] =	ssyncset.done $0x0  }
.LBB2_4:
0x33: {  	s24 =	sadd.s32 $0x70, s22  }
0x34: {  	[sflag:s9] =	ssyncadd.s32 $0xFFFFF900;
	s25 =	smov.u32 s23;
	s26 =	sadd.s32 $0x380, s23  }
0x35: {  	[tilespmem:s14], [sflag:$0x2] =	stream.indirect.gather [hbm4b:s4+s12], $0x10, s24, s12, $0xb8;
	[tilespmem:$0xACC0] =	vst v63  }
0x36: {  	p0 =	sne.s32 s23, $0x9680;
	_ =	swait.ge [sflag:s15], $0x700  }
0x37: {  	[sflag:s15] =	ssyncset.done $0x0  }
0x38: {  	s23 =	sadd.s32 $0x2760, s22;
	[sflag:s15] =	ssyncadd.s32 $0xFFFFF900  }
0x39: {  	[spmem:s2] =	stream.indirect.scatter.add.f32 [tilespmem:s13], [sflag:$0x3], $0x10, s23, s12, $0xb8;
	[tilespmem:$0xACC0] =	vst v63  }
0x3a: {  	_ =	swait.ge [sflag:s9], $0x700  }
0x3b: {  	[sflag:s9] =	ssyncset.done $0x0  }
0x3c: {  	s23 =	sadd.s32 $0xE0, s22;
	[sflag:s9] =	ssyncadd.s32 $0xFFFFF900  }
0x3d: {  	[tilespmem:s13], [sflag:$0x1] =	stream.indirect.gather [hbm4b:s4+s12], $0x10, s23, s12, $0xb8;
	[tilespmem:$0xACC0] =	vst v63  }
0x3e: {  	_ =	swait.ge [sflag:s16], $0x700  }
.Ltmp1:
0x3f: {  	[sflag:s16] =	ssyncset.done $0x0;
	(pc) =	sbr.rel @p0 .LBB2_4-.Ltmp1, $4  }
0x40: {  	s22 =	sadd.s32 $0x27D0, s22;
	[sflag:s16] =	ssyncadd.s32 $0xFFFFF900  }
0x41: {  	[spmem:s2] =	stream.indirect.scatter.add.f32 [tilespmem:s14], [sflag:$0x3], $0x10, s22, s12, $0xb8;
	[tilespmem:$0xACC0] =	vst v63  }
0x42: {  	_ =	swait.ge [sflag:s9], $0x700  }
0x43: {  	s23 =	smov.u32 s26;
	s22 =	sshra.s32 s25, $0x2;
	[sflag:s9] =	ssyncset.done $0x0  }
0x44: {  	s23 =	sadd.s32 $0x70, s22;
	[sflag:s9] =	ssyncadd.s32 $0xFFFFF900  }
0x45: {  	[tilespmem:s14], [sflag:$0x2] =	stream.indirect.gather [hbm4b:s4+s12], $0x10, s23, s12, $0xb8;
	[tilespmem:$0xACC0] =	vst v63  }
0x46: {  	_ =	swait.ge [sflag:s15], $0x700  }
0x47: {  	[sflag:s15] =	ssyncset.done $0x0  }
0x48: {  	s29 =	sadd.s32 $0x2760, s22;
	[sflag:s15] =	ssyncadd.s32 $0xFFFFF900  }
0x49: {  	[spmem:s2] =	stream.indirect.scatter.add.f32 [tilespmem:s13], [sflag:$0x3], $0x10, s29, s12, $0xb8;
	[tilespmem:$0xACC0] =	vst v63  }
0x4a: {  	_ =	swait.ge [sflag:s9], $0x700  }
0x4b: {  	[sflag:s9] =	ssyncset.done $0x0  }
0x4c: {  	s30 =	sadd.s32 $0xE0, s22;
	[sflag:s9] =	ssyncadd.s32 $0xFFFFF900  }
0x4d: {  	[tilespmem:s13], [sflag:$0x1] =	stream.indirect.gather [hbm4b:s4+s12], $0x10, s30, s12, $0xb8;
	[tilespmem:$0xACC0] =	vst v63  }
0x4e: {  	_ =	swait.ge [sflag:s16], $0x700  }
0x4f: {  	[sflag:s16] =	ssyncset.done $0x0  }
0x50: {  	s31 =	sadd.s32 $0x27D0, s22;
	[sflag:s16] =	ssyncadd.s32 $0xFFFFF900  }
0x51: {  	[spmem:s2] =	stream.indirect.scatter.add.f32 [tilespmem:s14], [sflag:$0x3], $0x10, s31, s12, $0xb8;
	[tilespmem:$0xACC0] =	vst v63  }
0x52: {  	_ =	swait.ge [sflag:s9], $0x700  }
0x53: {  	[sflag:s9] =	ssyncset.done $0x0  }
0x54: {  	[sflag:s9] =	ssyncadd.s32 $0xFFFFF900  }
0x55: {  	[tilespmem:s14], [sflag:$0x2] =	stream.indirect.gather [hbm4b:s4+s12], $0x10, s17, s12, $0xb8;
	[tilespmem:$0xACC0] =	vst v63  }
0x56: {  	_ =	swait.ge [sflag:s15], $0x700  }
0x57: {  	[sflag:s15] =	ssyncset.done $0x0  }
0x58: {  	[sflag:s15] =	ssyncadd.s32 $0xFFFFF900  }
0x59: {  	[spmem:s2] =	stream.indirect.scatter.add.f32 [tilespmem:s13], [sflag:$0x3], $0x10, s18, s12, $0xb8;
	[tilespmem:$0xACC0] =	vst v63  }
0x5a: {  	_ =	swait.ge [sflag:s9], $0x700  }
0x5b: {  	[sflag:s9] =	ssyncset.done $0x0  }
0x5c: {  	[sflag:s9] =	ssyncadd.s32 $0xFFFFF900  }
0x5d: {  	_ =	swait.ge [sflag:s16], $0x700  }
0x5e: {  	[sflag:s16] =	ssyncset.done $0x0  }
0x5f: {  	[sflag:s16] =	ssyncadd.s32 $0xFFFFF900  }
0x60: {  	[spmem:s2] =	stream.indirect.scatter.add.f32 [tilespmem:s14], [sflag:$0x3], $0x10, s19, s12, $0xb8;
	[tilespmem:$0xACC0] =	vst v63  }
0x61: {  	_ =	swait.ge [sflag:s9], $0x700  }
0x62: {  	[sflag:s9] =	ssyncset.done $0x0  }
0x63: {  	[sflag:s9] =	ssyncadd.s32 $0xFFFFF900  }
0x64: {  	[bflag:$0x0] =	sbarrier.arrive $0xFFFF  }
0x65: {  	[tilespmem:s11], [sflag:$0x3] =	stream.linear.gather [spmem:s7], $0x2800, $0x38;
	[tilespmem:$0xACC0] =	vst v63  }
0x66: {  	s21 =	sadd.s32 $0x1, s21;
	_ =	swait.ge [sflag:s9], $0x2800  }
0x67: {  	p0 =	sne.s32 s21, s8;
	[sflag:s9] =	ssyncset.done $0x0  }
.Ltmp2:
0x68: {  	[sflag:s9] =	ssyncadd.s32 $0xFFFFD800;
	(pc) =	sbr.rel @p0 .LBB2_1-.Ltmp2, $4  }
0x69: {  	[hbm4b:s20+s3] =	stream.linear.scatter [tilespmem:s11], [sflag:$0x3], $0x2800, $0x38;
	[tilespmem:$0xACC0] =	vst v63  }
0x6a: {  	_ =	swait.ge [sflag:s9], $0x2800  }
0x6b: {  	[sflag:s9] =	ssyncset.done $0x0  }
0x6c: {  	[sflag:s9] =	ssyncadd.s32 $0xFFFFD800  }
0x6d: {  	_ =	sfence.sel $0x180000  }
0x6e: {  	[bflag:$0x0] =	sbarrier.arrive $0xFFFF  }
0x6f: {  	p0 =	sne.s32 s1, $0x0;
	_ =	strace $0x9000004D  }
0x70: {  	s0 =	sadd.s32 @!p0 $0x100000, s0;
	[bflag:$0x2] =	sbarrier.arrive $0xFFFF  }
0x71: {  	[sflag:s0] =	ssyncadd.tile.s32 @!p0 $0x1;
	_ =	shalt  }
.Lfunc_end2:
_tile_overlayer_lowered:
.L_overlay_start_2:
0x72: {  	(tag) =	ssettag $0x2  }
0x73: {  	s0 =	rddreg [dreg:$0x0];
	s2 =	stileid.u32  }
0x74: {  	s1 =	rddreg [dreg:$0x1];
	p0 =	sne.s32 s2, $0x0  }
0x75: {  	s3 =	rddreg [dreg:$0x2];
	[bflag:$0x3] =	sbarrier.arrive $0xFFFF;
	s2 =	simm.s32 @!p0 $0x1C03  }
0x76: {  	[timem:s3], [sflag:s2] =	dma.local @!p0 [hbm:s0], s1  }
0x77: {  	s0 =	simm.s32 @!p0 $0x3  }
0x78: {  	_ =	swait.ge @!p0 [sflag:s0], s1  }
0x79: {  	s1 =	ssub.s32 @!p0 $0x0, s1;
	[sflag:s0] =	ssyncset.done @!p0 $0x0  }
0x7a: {  	[sflag:s0] =	ssyncadd.s32 @!p0 s1  }
0x7b: {  	[bflag:$0x3] =	sbarrier.arrive $0xFFFF  }
0x7c: {  	_ =	shalt  }

// kernel: kernel.8.cloned.1.call-start
scs
__scs_entry_jumppad:
0x0: {  	(pc) =	sbr.rel $0x88, $3  }
0x1: {  	(tag) =	ssettag $0x0;
	lr =	simm.s32 $0x1  }
0x2: {  	[smem:$0x3F9B] =	sst lr;
	_ =	strace $0xD0000000  }
0x3: {  	_ = 	snop  }
0x4: {  	_ = 	snop  }
0x5: {  	_ = 	snop  }
0x6: {  	_ = 	snop  }
0x7: {  	_ = 	snop  }
__scs_overlays_trampoline_lowered:
0x8: {  	[smem:$0x3FAA] =	sst s0  }
0x9: {  	[smem:$0x3FAB] =	sst s1  }
0xa: {  	[smem:$0x3FAC] =	sst s2  }
0xb: {  	[smem:$0x3FAD] =	sst s3  }
0xc: {  	[smem:$0x3FAE] =	sst s4  }
0xd: {  	[smem:$0x3FAF] =	sst s5  }
0xe: {  	[smem:$0x3FB0] =	sst s6  }
0xf: {  	[smem:$0x3FB1] =	sst s7  }
0x10: {  	[smem:$0x3FB2] =	sst s8  }
0x11: {  	[smem:$0x3FB3] =	sst s9;
	s0 =	simm.s32 @!p0 $0x0  }
0x12: {  	s1 =	sld [smem:$0x3F99];
	s0 =	simm.s32 @p0 $0x1  }
0x13: {  	[smem:$0x3FB4] =	sst s0;
	s0 =	simm.s32 @!p1 $0x0  }
0x14: {  	s2 =	sld [smem:$0x3F98];
	s0 =	simm.s32 @p1 $0x1  }
0x15: {  	[smem:$0x3FB5] =	sst s0;
	s0 =	simm.s32 @!p2 $0x0  }
0x16: {  	s3 =	sld [smem:$0x3FDB];
	s0 =	simm.s32 @p2 $0x1  }
0x17: {  	s4 =	simm.s32 $0x1BF5;
	[smem:$0x3FB7] =	sst s0  }
0x18: {  	s0 =	sld [smem:$0x3F9A];
	_ =	swait.ge [sflag:s4], $0x0  }
0x19: {  	s7 =	sld [smem:$0x3F9B]  }
0x1a: {  	s8 =	sadd.s32 $0xFFFFE003, lr  }
0x1b: {  	s9 =	sadd.s32 $0xFFFFFEF7, lr;
	s5 =	simm.s32 $0xFFFFFFFF;
	p2 =	slt.u32 s8, $0xFFFFF086  }
0x1c: {  	p1 =	slt.u32 s9, $0xF7A;
	s5 =	simm.s32 @!p2 $0x0  }
0x1d: {  	s5 =	simm.s32 @p1 $0x1;
	p0 =	seq.s32 s7, s2  }
0x1e: {  	s7 =	smul.u32 @!p0 $0xF7A, s2;
	p2 =	seq.s32 @!p0 s5, $0x0  }
0x1f: {  	s9 =	smul.u32 $0xF7A, s1;
	s8 =	simm.s32 @!p0 $0x1BF5;
	p2 =	por !p2, p0  }
0x20: {  	[sflag:s8] =	ssyncset.s32 @!p0 $0xFFFFF086;
	s6 =	sadd.s32 @!p0 s3, s7;
	s7 =	simm.s32 @!p0 $0x108  }
0x21: {  	s3 =	sadd.s32 s3, s9;
	s6 =	sadd.s32 @!p0 $0x88, s6;
	s7 =	simm.s32 @p2 $0x1082  }
0x22: {  	[simem:s7], [sflag:s8] =	dma.local @!p0 [hbm:s6], $0xF7A  }
0x23: {  	s9 =	sor.u32 $0xD0000000, s2;
	s6 =	simm.s32 $0x108;
	_ =	swait.ge @!p0 [sflag:s8], $0x0  }
0x24: {  	s3 =	sadd.s32 $0x88, s3;
	s6 =	simm.s32 @!p1 $0x1082;
	[sflag:s4] =	ssyncset.s32 $0xFFFFF086  }
0x25: {  	[simem:s6], [sflag:s4] =	dma.local [hbm:s3], $0xF7A  }
0x26: {  	[smem:$0x3F9B] =	sst s1;
	(tag) =	ssettag s2;
	_ =	strace s9  }
0x27: {  	s1 =	sld [smem:$0x3FAB]  }
0x28: {  	s2 =	sld [smem:$0x3FAC]  }
0x29: {  	s4 =	sld [smem:$0x3FAE]  }
0x2a: {  	p0 =	seq.s32 s5, $0x0;
	s5 =	sld [smem:$0x3FAF]  }
0x2b: {  	s6 =	sld [smem:$0x3FB0]  }
0x2c: {  	s7 =	sld [smem:$0x3FB1]  }
0x2d: {  	s3 =	simm.s32 $0x108;
	s8 =	sld [smem:$0x3FB2]  }
0x2e: {  	s3 =	simm.s32 @!p0 $0x1082;
	s9 =	sld [smem:$0x3FB3]  }
0x2f: {  	lr =	sadd.s32 s0, s3;
	s0 =	sld [smem:$0x3FAA]  }
0x30: {  	s3 =	sld [smem:$0x3FAD]  }
0x31: {  	[smem:$0x3FB6] =	sst s10  }
0x32: {  	s10 =	sld [smem:$0x3FB4];
	_ =	sdelay $0x3  }
0x33: {  	p0 =	seq.s32 s10, $0x1;
	s10 =	sld [smem:$0x3FB6];
	_ =	sdelay $0x3  }
0x34: {  	[smem:$0x3FB6] =	sst s10  }
0x35: {  	s10 =	sld [smem:$0x3FB5];
	_ =	sdelay $0x3  }
0x36: {  	p1 =	seq.s32 s10, $0x1;
	s10 =	sld [smem:$0x3FB6];
	_ =	sdelay $0x3  }
0x37: {  	[smem:$0x3FB6] =	sst s10  }
0x38: {  	s10 =	sld [smem:$0x3FB7]  }
0x39: {  	_ = 	snop;
	(pc) =	sbr.ind lr, $3  }
0x3a: {  	_ = 	snop  }
0x3b: {  	_ = 	snop  }
0x3c: {  	p2 =	seq.s32 s10, $0x1;
	s10 =	sld [smem:$0x3FB6]  }
0x3d: {  	_ =	shalt  }
0x3e: {  	_ =	shalt  }
0x3f: {  	_ =	shalt  }
0x40: {  	_ =	shalt  }
0x41: {  	_ =	shalt  }
0x42: {  	_ =	shalt  }
0x43: {  	_ =	shalt  }
0x44: {  	_ =	shalt  }
0x45: {  	_ =	shalt  }
0x46: {  	_ =	shalt  }
0x47: {  	_ =	shalt  }
0x48: {  	_ =	shalt  }
0x49: {  	_ =	shalt  }
0x4a: {  	_ =	shalt  }
0x4b: {  	_ =	shalt  }
0x4c: {  	_ =	shalt  }
0x4d: {  	_ =	shalt  }
0x4e: {  	_ =	shalt  }
0x4f: {  	_ =	shalt  }
0x50: {  	_ =	shalt  }
0x51: {  	_ =	shalt  }
0x52: {  	_ =	shalt  }
0x53: {  	_ =	shalt  }
0x54: {  	_ =	shalt  }
0x55: {  	_ =	shalt  }
0x56: {  	_ =	shalt  }
0x57: {  	_ =	shalt  }
0x58: {  	_ =	shalt  }
0x59: {  	_ =	shalt  }
0x5a: {  	_ =	shalt  }
0x5b: {  	_ =	shalt  }
0x5c: {  	_ =	shalt  }
0x5d: {  	_ =	shalt  }
0x5e: {  	_ =	shalt  }
0x5f: {  	_ =	shalt  }
0x60: {  	_ =	shalt  }
0x61: {  	_ =	shalt  }
0x62: {  	_ =	shalt  }
0x63: {  	_ =	shalt  }
0x64: {  	_ =	shalt  }
0x65: {  	_ =	shalt  }
0x66: {  	_ =	shalt  }
0x67: {  	_ =	shalt  }
0x68: {  	_ =	shalt  }
0x69: {  	_ =	shalt  }
0x6a: {  	_ =	shalt  }
0x6b: {  	_ =	shalt  }
0x6c: {  	_ =	shalt  }
0x6d: {  	_ =	shalt  }
0x6e: {  	_ =	shalt  }
0x6f: {  	_ =	shalt  }
0x70: {  	_ =	shalt  }
0x71: {  	_ =	shalt  }
0x72: {  	_ =	shalt  }
0x73: {  	_ =	shalt  }
0x74: {  	_ =	shalt  }
0x75: {  	_ =	shalt  }
0x76: {  	_ =	shalt  }
0x77: {  	_ =	shalt  }
0x78: {  	_ =	shalt  }
0x79: {  	_ =	shalt  }
0x7a: {  	_ =	shalt  }
0x7b: {  	_ =	shalt  }
0x7c: {  	_ =	shalt  }
0x7d: {  	_ =	shalt  }
0x7e: {  	_ =	shalt  }
0x7f: {  	_ =	shalt  }
0x80: {  	_ =	shalt  }
0x81: {  	_ =	shalt  }
0x82: {  	_ =	shalt  }
0x83: {  	_ =	shalt  }
0x84: {  	_ =	shalt  }
0x85: {  	_ =	shalt  }
0x86: {  	_ =	shalt  }
0x87: {  	_ =	shalt  }
.Lfunc_end0:
.L_simem_size_0:
called_computation_lowered:
.L_overlay_start_0:
0x88: {  	s2 =	sld [smem:$0x3FD9]  }
0x89: {  	s3 =	sld [smem:$0x3FFE];
	_ =	sdelay $0x1  }
0x8a: {  	s1 =	srdreg.scid  }
0x8b: {  	s0 =	sand.u32 $0x1, s1  }
0x8c: {  	s17 =	sshll.u32 s0, $0xA;
	s2 =	sadd.s32 s3, s2  }
0x8d: {  	s2 =	sadd.s32 s2, s17  }
0x8e: {  	[smem:$0x3FC2] =	sst s2  }
0x8f: {  	_ = 	snop  }
0x90: {  	s2 =	sld [smem:$0x3FD0];
	(tm) =	ssettm $0x1  }
0x91: {  	s18 =	sld [smem:$0x3FFB];
	_ =	sdelay $0x3  }
0x92: {  	_ =	strace s18  }
0x93: {  	s3 =	sld [smem:$0x3FFC];
	_ =	sdelay $0x3  }
0x94: {  	_ =	strace s3  }
0x95: {  	s3 =	sld [smem:$0x3FFD];
	_ =	sdelay $0x3  }
0x96: {  	_ =	strace s3  }
0x97: {  	_ =	strace $0x8FFFFFFF  }
0x98: {  	s19 =	sld [smem:$0x3FDB];
	_ =	sdelay $0x1  }
0x99: {  	s4 =	simm.s32 $_scs_section_size  }
0x9a: {  	s5 =	simm.s32 $_size__tile_overlayer_lowered;
	s6 =	simm.s32 $_tile_overlayer_lowered  }
0x9b: {  	s22 =	simm.s32 $0x1BFF;
	s21 =	sshll.u32 s6, $0x1;
	s3 =	sadd.s32 s4, s19  }
0x9c: {  	s7 =	simm.s32 $0x0;
	s20 =	sshll.u32 s5, $0x1;
	s5 =	sadd.s32 s21, s3  }
0x9d: {  	[timem:s7], [sflag:s22] =	dma.local [hbm:s5], s20  }
0x9e: {  	_ =	swait.ge [sflag:s22], s20  }
0x9f: {  	s4 =	ssub.s32 $0x0, s20;
	[sflag:s22] =	ssyncset.done $0x0  }
0xa0: {  	[sflag:s22] =	ssyncadd.s32 s4;
	_ =	sdelay $0x1  }
0xa1: {  	s23 =	simm.s32 $0x1B8B  }
0xa2: {  	_ =	swait.ge [sflag:s23], $0x1  }
0xa3: {  	[sflag:s23] =	ssyncset.done $0x0  }
0xa4: {  	s25 =	simm.s32 $0x1B8E;
	s24 =	sld [smem:$0x3FFE];
	[sflag:s23] =	ssyncadd.s32 $0xFFFFFFFF  }
0xa5: {  	s26 =	simm.s32 $execute0_lowered;
	[smem:$0x3FD2] =	sst s25  }
0xa6: {  	s5 =	sshll.u32 s26, $0x1;
	_ =	strace $0x80000046;
	[dreg:$0x1] =	wrdreg $0xFFFFFFFF  }
0xa7: {  	s28 =	simm.s32 $_size_execute0_lowered;
	s3 =	sadd.s32 s3, s5;
	[dreg:$0x0] =	wrdreg $0x0  }
0xa8: {  	s5 =	sshll.u32 s28, $0x1;
	[dreg:$0x2] =	wrdreg s3  }
0xa9: {  	[dreg:$0x3] =	wrdreg s5  }
0xaa: {  	[dreg:$0x4] =	wrdreg $0xC0  }
0xab: {  	_ =	task [dreg:s7], $0x5FFFF  }
0xac: {  	[dreg:$0x1] =	wrdreg $0xFFFFFFFF  }
0xad: {  	[dreg:$0x0] =	wrdreg $0x60  }
0xae: {  	[dreg:$0x2] =	wrdreg s24  }
0xaf: {  	[dreg:$0x3] =	wrdreg s2  }
0xb0: {  	[dreg:$0x4] =	wrdreg $0x9  }
0xb1: {  	_ =	task.clear_ibuf [dreg:s7], $0x5FFFF;
	_ =	strace $0x90000046  }
0xb2: {  	s29 =	simm.s32 $0x9;
	_ =	strace $0x80000048  }
0xb3: {  	_ =	swait.ge [sflag:s29], $0x1  }
0xb4: {  	[sflag:s29] =	ssyncadd.s32 $0xFFFFFFFF  }
0xb5: {  	_ =	strace $0x90000048  }
0xb6: {  	_ =	sfence  }
0xb7: {  	s30 =	sld [smem:$0x0];
	_ =	sdelay $0x2  }
0xb8: {  	s31 =	sshll.u32 s1, $0xD;
	s1 =	sshrl.u32 s1, $0x2  }
0xb9: {  	s3 =	sand.u32 $0x4000, s31;
	s1 =	sadd.s32 s1, s30  }
0xba: {  	s0 =	sor.u32 s3, s0;
	s1 =	sshll.u32 s1, $0x11  }
0xbb: {  	s0 =	sor.u32 s1, s0  }
0xbc: {  	s0 =	sadd.s32 $0x8F2B, s0  }
0xbd: {  	[sflag:s0] =	ssyncadd.remote.s32 $0x1  }
0xbe: {  	_ =	sfence.sel $0xFFFF  }
0xbf: {  	[dreg:$0x0] =	wrdreg $0xFFFFFFFF;
	(pc) =	sbr.abs _section_cstart, $3  }
0xc0: {  	[dreg:$0x1] =	wrdreg $0xFFFFFFFF  }
0xc1: {  	_ =	task.clear_ibuf [dreg:s7], $0x2FFFF;
	_ =	strace $0x9FFFFFFF  }
0xc2: {  	(tm) =	ssettm $0x7FFFFFFF  }
0xc3: {  	_ =	shalt  }
tec
execute0_lowered:
.L_overlay_start_1:
0x0: {  	(tag) =	ssettag $0x1  }
0x1: {  	s0 =	srdreg.scid  }
0x2: {  	s4 =	sand.u32 $0x1, s0  }
0x3: {  	s0 =	stileid.u32;
	s5 =	smul.u32 $0x27600, s4  }
0x4: {  	s3 =	rddreg [dreg:$0x0];
	s7 =	smul.u32 $0x2760, s0  }
0x5: {  	s6 =	rddreg [dreg:$0x1];
	s2 =	simm.s32 $0x0;
	s8 =	smul.u32 $0x27100, s4  }
0x6: {  	[smem:$0x7FF] =	sst s2;
	s9 =	smul.u32 $0x2710, s0;
	s4 =	ssub.s32 $0x2, s4  }
0x7: {  	s1 =	rddreg [dreg:$0x2];
	_ =	strace $0x80000047;
	s30 =	sshrl.u32 s4, $0x1  }
0x8: {  	s5 =	sadd.s32 s5, s7;
	s29 =	sadd.s32 s9, s8;
	s8 =	ssub.s32 s4, s30  }
0x9: {  	s7 =	simm.s32 $0x2760;
	s5 =	sshrl.u32 s5, $0x3;
	s31 =	sshrl.u32 s29, $0x3  }
0xa: {  	s3 =	sadd.s32 s3, s5;
	s4 =	sadd.s32 s6, s31;
	s5 =	smax.u32 s8, $0x1  }
0xb: {  	v0 =	vimm.f32 $0.0e+00;
	v1 =	vimm.f32 $1.000000000e+00;
	s6 =	simm.s32 $0x1;
	s8 =	simm.s32 $0x0;
	s3 =	sadd.s32 $0xB980, s3  }
.LBB2_1:
0xc: {  	[tilespmem:s2], [sflag:$0x1] =	stream.linear.gather [hbm4b:s3+s2], $0x2760, $0x38;
	[tilespmem:$0x4E80] =	vst v63  }
0xd: {  	_ =	swait.ge [sflag:s6], $0x2760  }
0xe: {  	[sflag:s6] =	ssyncset.done $0x0  }
0xf: {  	s9 =	simm.s32 $0x0;
	[sflag:s6] =	ssyncadd.s32 $0xFFFFD8A0  }
.LBB2_2:
0x10: {  	p0 =	sne.s32 s9, $0x9C40  }
.Ltmp0:
0x11: {  	_ = 	snop;
	(pc) =	sbr.rel @p0 .LBB2_2-.Ltmp0, $3  }
0x12: {  	_ =	sdelay $0x1  }
0x13: {  	s10 =	sshra.s32 s9, $0x2  }
0x14: {  	s9 =	sadd.s32 $0x40, s9;
	[tilespmem:s10+$0x2760] =	vst v0  }
0x15: {  	s9 =	simm.s32 $0x0  }
.LBB2_4:
0x16: {  	s10 =	sshra.s32 s9, $0x2  }
0x17: {  	v2 =	vld [tilespmem:s10+$0x0];
	_ =	sdelay $0x7  }
0x18: {  	[tilespmem:v2+s7+$0x0] =	vst.idx.add.f32.msk $0xffff, v1  }
0x19: {  	v2 =	vld [tilespmem:s10+$0x10];
	_ =	sdelay $0x7  }
0x1a: {  	[tilespmem:v2+s7+$0x0] =	vst.idx.add.f32.msk $0xffff, v1  }
0x1b: {  	v2 =	vld [tilespmem:s10+$0x20];
	_ =	sdelay $0x7  }
0x1c: {  	[tilespmem:v2+s7+$0x0] =	vst.idx.add.f32.msk $0xffff, v1  }
0x1d: {  	v2 =	vld [tilespmem:s10+$0x30];
	_ =	sdelay $0x7  }
0x1e: {  	[tilespmem:v2+s7+$0x0] =	vst.idx.add.f32.msk $0xffff, v1  }
0x1f: {  	v2 =	vld [tilespmem:s10+$0x40];
	_ =	sdelay $0x7  }
0x20: {  	[tilespmem:v2+s7+$0x0] =	vst.idx.add.f32.msk $0xffff, v1  }
0x21: {  	v2 =	vld [tilespmem:s10+$0x50];
	_ =	sdelay $0x7  }
0x22: {  	[tilespmem:v2+s7+$0x0] =	vst.idx.add.f32.msk $0xffff, v1  }
0x23: {  	v2 =	vld [tilespmem:s10+$0x60];
	_ =	sdelay $0x2  }
0x24: {  	p0 =	sne.s32 s9, $0x9BC0  }
.Ltmp1:
0x25: {  	_ = 	snop;
	(pc) =	sbr.rel @p0 .LBB2_4-.Ltmp1, $2  }
0x26: {  	_ =	sdelay $0x2  }
0x27: {  	s9 =	sadd.s32 $0x1C0, s9;
	[tilespmem:v2+s7+$0x0] =	vst.idx.add.f32.msk $0xffff, v1  }
0x28: {  	s8 =	sadd.s32 $0x1, s8  }
0x29: {  	p0 =	sne.s32 s8, s5  }
.Ltmp2:
0x2a: {  	_ = 	snop;
	(pc) =	sbr.rel @p0 .LBB2_1-.Ltmp2, $4  }
0x2b: {  	[hbm4b:s4+s2] =	stream.linear.scatter [tilespmem:s7], [sflag:$0x1], $0x2710, $0x38;
	[tilespmem:$0x4E80] =	vst v63  }
0x2c: {  	_ =	swait.ge [sflag:s6], $0x2710  }
0x2d: {  	[sflag:s6] =	ssyncset.done $0x0  }
0x2e: {  	[sflag:s6] =	ssyncadd.s32 $0xFFFFD8F0  }
0x2f: {  	_ =	sfence.sel $0x180000  }
0x30: {  	[bflag:$0x0] =	sbarrier.arrive $0xFFFF  }
0x31: {  	p0 =	sne.s32 s0, $0x0;
	_ =	strace $0x90000047  }
0x32: {  	s0 =	sadd.s32 @!p0 $0x100000, s1;
	[bflag:$0x2] =	sbarrier.arrive $0xFFFF  }
0x33: {  	[sflag:s0] =	ssyncadd.tile.s32 @!p0 $0x1;
	_ =	shalt  }
.Lfunc_end2:
_tile_overlayer_lowered:
.L_overlay_start_2:
0x34: {  	(tag) =	ssettag $0x2  }
0x35: {  	s0 =	rddreg [dreg:$0x0];
	s2 =	stileid.u32  }
0x36: {  	s1 =	rddreg [dreg:$0x1];
	p0 =	sne.s32 s2, $0x0  }
0x37: {  	s3 =	rddreg [dreg:$0x2];
	[bflag:$0x3] =	sbarrier.arrive $0xFFFF;
	s2 =	simm.s32 @!p0 $0x1C01  }
0x38: {  	[timem:s3], [sflag:s2] =	dma.local @!p0 [hbm:s0], s1  }
0x39: {  	s0 =	simm.s32 @!p0 $0x1  }
0x3a: {  	_ =	swait.ge @!p0 [sflag:s0], s1  }
0x3b: {  	s1 =	ssub.s32 @!p0 $0x0, s1;
	[sflag:s0] =	ssyncset.done @!p0 $0x0  }
0x3c: {  	[sflag:s0] =	ssyncadd.s32 @!p0 s1  }
0x3d: {  	[bflag:$0x3] =	sbarrier.arrive $0xFFFF  }
0x3e: {  	_ =	shalt  }

</sc_bundles>
